<compile_context>
chip_gen: v7x
topology: tpu7x:2x2x1
jax: 0.10.2.dev20260603
libtpu: 0.0.44.dev20260713+nightly
codegen_flags: <defaults>
</compile_context>

<pallas_src>
import functools

import jax
import jax.numpy as jnp
from jax import lax
from jax.experimental import pallas as pl
from jax.experimental.pallas import tpu as pltpu
from jax.experimental.pallas import tpu_sc as plsc

N = 10000
D = 128
E = 320000
DT = 0.01

NC = 2
NS = 16
NW = NC * NS
EPW = E // NW
CHUNK = 400
NCHUNKS = EPW // CHUNK
ZR = 1000
NZT = N // ZR
BB = 40
NBB = ZR // BB
GW = 16
NPAD = 10240
GZR = NPAD // NZT
GB = 64
NGB = GZR // GB
PR = GZR // 8
PB = 64


def _sc_scatter(src, dst, q):
    mesh = plsc.VectorSubcoreMesh(core_axis_name="c", subcore_axis_name="s")

    @functools.partial(
        pl.kernel,
        out_type=(
            jax.ShapeDtypeStruct((NC, N, D), jnp.bfloat16),
            jax.ShapeDtypeStruct((NW, N), jnp.float32),
        ),
        mesh=mesh,
        scratch_types=[
            pltpu.VMEM((CHUNK,), jnp.int32),
            pltpu.VMEM((CHUNK,), jnp.int32),
            pltpu.VMEM((CHUNK,), jnp.int32),
            pltpu.VMEM((CHUNK,), jnp.int32),
            pltpu.VMEM((CHUNK,), jnp.int32),
            pltpu.VMEM((CHUNK,), jnp.int32),
            pltpu.VMEM((CHUNK, D), jnp.bfloat16),
            pltpu.VMEM((CHUNK, D), jnp.bfloat16),
            pltpu.VMEM((CHUNK, D), jnp.bfloat16),
            pltpu.VMEM((N,), jnp.float32),
            pltpu.VMEM_SHARED((N, D), jnp.bfloat16),
            pltpu.SemaphoreType.DMA,
            pltpu.SemaphoreType.DMA,
            pltpu.SemaphoreType.DMA,
            pltpu.SemaphoreType.DMA,
            pltpu.SemaphoreType.DMA,
            pltpu.SemaphoreType.DMA,
        ],
        compiler_params=pltpu.CompilerParams(use_tc_tiling_on_sc=False,
                                             needs_layout_passes=False),
    )
    def k(src_hbm, dst_hbm, q_hbm,
          s_out, g_out, src0_v, src1_v, src2_v, dst0_v, dst1_v, dst2_v,
          rows0_v, rows1_v, rows2_v,
          deg_v, s_sh, gsem0, gsem1, gsem2, ssem0, ssem1, ssem2):
        c = lax.axis_index("c")
        s = lax.axis_index("s")
        r0 = s * ZR

        zero16 = jnp.zeros((GW,), dtype=jnp.float32)
        one16 = jnp.full((GW,), 1.0, dtype=jnp.float32)
        zero32b = jnp.zeros((32,), dtype=jnp.bfloat16)

        def zrow(i, carry):
            for cc in range(D // 32):
                rows0_v[i, pl.ds(cc * 32, 32)] = zero32b
            return carry

        lax.fori_loop(0, CHUNK, zrow, 0)

        def zdeg(i, carry):
            deg_v[pl.ds(i * GW, GW)] = zero16
            return carry

        lax.fori_loop(0, N // GW, zdeg, 0)

        @pl.when(s < NZT)
        def _():
            for j in range(ZR // CHUNK):
                pltpu.sync_copy(rows0_v,
                                s_sh.at[pl.ds(r0 + j * CHUNK, CHUNK)])
            rem = ZR - (ZR // CHUNK) * CHUNK
            if rem:
                pltpu.sync_copy(
                    rows0_v.at[pl.ds(0, rem)],
                    s_sh.at[pl.ds(r0 + (ZR // CHUNK) * CHUNK, rem)])

        plsc.subcore_barrier()

        base = (c * NS + s) * EPW

        srcs = (src0_v, src1_v, src2_v)
        dsts = (dst0_v, dst1_v, dst2_v)
        rows = (rows0_v, rows1_v, rows2_v)
        gsems = (gsem0, gsem1, gsem2)
        ssems = (ssem0, ssem1, ssem2)

        def copy_idx(k, b):
            e0 = base + k * CHUNK
            pltpu.sync_copy(src_hbm.at[pl.ds(e0, CHUNK)], srcs[b])
            pltpu.sync_copy(dst_hbm.at[pl.ds(e0, CHUNK)], dsts[b])

        def start_gather(b):
            pltpu.async_copy(q_hbm.at[srcs[b]], rows[b], gsems[b])

        def wait_gather(b):
            pltpu.make_async_copy(q_hbm.at[srcs[b]], rows[b],
                                  gsems[b]).wait()

        def start_scatter(b):
            pltpu.async_copy(rows[b], s_sh.at[dsts[b]], ssems[b], add=True)

        def wait_scatter(b):
            pltpu.make_async_copy(rows[b], s_sh.at[dsts[b]],
                                  ssems[b]).wait()

        def count_deg(b):
            for g in range(CHUNK // GW):
                idx = dsts[b][pl.ds(g * GW, GW)]
                plsc.addupdate_scatter(deg_v, [idx], one16)

        copy_idx(0, 0)
        start_gather(0)
        copy_idx(1, 1)
        start_gather(1)

        def step(t, carry):
            for j in range(3):
                b = j
                b2 = (j + 2) % 3
                wait_gather(b)
                start_scatter(b)
                if j == 0:
                    @pl.when(t > 0)
                    def _():
                        wait_scatter(b2)

                    copy_idx(3 * t + j + 2, b2)
                    start_gather(b2)
                elif j == 1:
                    wait_scatter(b2)
                    copy_idx(3 * t + j + 2, b2)
                    start_gather(b2)
                else:
                    @pl.when(t < NCHUNKS // 3 - 1)
                    def _():
                        wait_scatter(b2)
                        copy_idx(3 * t + j + 2, b2)
                        start_gather(b2)

                count_deg(b)
            return carry

        lax.fori_loop(0, NCHUNKS // 3, step, 0)

        b = (NCHUNKS - 1) % 3
        wait_gather(b)
        start_scatter(b)
        count_deg(b)
        wait_scatter((b + 1) % 3)
        wait_scatter((b + 2) % 3)
        wait_scatter(b)

        pltpu.sync_copy(deg_v, g_out.at[c * NS + s])
        plsc.subcore_barrier()

        @pl.when(s < NZT)
        def _():
            pltpu.sync_copy(s_sh.at[pl.ds(r0, ZR)],
                            s_out.at[c, pl.ds(r0, ZR)])

    return k(src, dst, q)


BLK = 1000


def _finish_body(q_ref, p_ref, s_ref, g_ref, obs_ref, gain_ref,
                 qo_ref, po_ref):
    q = q_ref[...]
    p = p_ref[...]
    s = (s_ref[0].astype(jnp.float32) + s_ref[1].astype(jnp.float32))
    deg = jnp.sum(g_ref[...], axis=1)[:, None]
    msg = deg * q - s
    q_new = q + DT * p + (0.5 * DT * DT) * msg
    p_new = p + DT * msg

    @pl.when(pl.program_id(0) == 0)
    def _():
        innov = obs_ref[...] - q_new
        rows = lax.broadcasted_iota(jnp.int32, q_new.shape, 0)
        m = rows == 0
        qo_ref[...] = jnp.where(m, q_new + gain_ref[0:1] * innov, q_new)
        po_ref[...] = jnp.where(m, p_new + gain_ref[1:2] * innov, p_new)

    @pl.when(pl.program_id(0) != 0)
    def _():
        qo_ref[...] = q_new
        po_ref[...] = p_new


def _finish(q, p, s_parts, g_parts, obs, gain2):
    grid = (N // BLK,)
    return pl.pallas_call(
        _finish_body,
        grid=grid,
        in_specs=[
            pl.BlockSpec((BLK, D), lambda i: (i, 0)),
            pl.BlockSpec((BLK, D), lambda i: (i, 0)),
            pl.BlockSpec((NC, BLK, D), lambda i: (0, i, 0)),
            pl.BlockSpec((BLK, NW), lambda i: (i, 0)),
            pl.BlockSpec((1, D), lambda i: (0, 0)),
            pl.BlockSpec((2, D), lambda i: (0, 0)),
        ],
        out_specs=[
            pl.BlockSpec((BLK, D), lambda i: (i, 0)),
            pl.BlockSpec((BLK, D), lambda i: (i, 0)),
        ],
        out_shape=[
            jax.ShapeDtypeStruct((N, D), jnp.float32),
            jax.ShapeDtypeStruct((N, D), jnp.float32),
        ],
    )(q, p, s_parts, g_parts, obs, gain2)


def kernel(node_q, node_p, edges, observations, kalman_gain):
    q = node_q.reshape(N, D)
    p = node_p.reshape(N, D)
    src = edges[:, 0]
    dst = edges[:, 1]
    s_parts, g_parts = _sc_scatter(src, dst, q.astype(jnp.bfloat16))
    g_t = g_parts.T
    obs = observations.reshape(1, D)
    gain2 = kalman_gain.reshape(2, D)
    qo, po = _finish(q, p, s_parts, g_t, obs, gain2)
    return qo.reshape(node_q.shape), po.reshape(node_p.shape)

# --- scband reference (transcript-rebuilt; emitter-appended) ---
"""Pipeline reference for scband-symplectic-gnnkalman-layer-82497731821680 (READ-ONLY COPY).

The authoritative reference and input builder live on the scoring server;
editing this copy changes nothing except your own understanding.
"""

import jax, jax.numpy as jnp
import numpy as np

B = 1
N = 10000
E = 320000
D = 128
DT = 0.01


def setup_inputs(seed: int = 0) -> dict:
    key = jax.random.key(seed)
    k1, k2, k3, k4 = jax.random.split(key, 4)
    node_q = jax.random.normal(k1, (B, N, D), dtype=jnp.float32)
    node_p = jax.random.normal(k2, (B, N, D), dtype=jnp.float32)
    edges = jax.random.randint(k3, (E, 2), 0, N, dtype=jnp.int32)
    observations = jax.random.normal(k4, (B, D), dtype=jnp.float32)
    # learned parameter: kalman_gain initialized to constant 0.1, shape [2*node_dim]
    kalman_gain = jnp.full((2 * D,), 0.1, dtype=jnp.float32)
    return {"node_q": node_q, "node_p": node_p, "edges": edges,
            "observations": observations, "kalman_gain": kalman_gain}


def reference(node_q, node_p, edges, observations, kalman_gain):
    src_idx = edges[:, 0]
    dst_idx = edges[:, 1]

    def batch_step(q, p, obs):
        # q, p: [N, D]; obs: [D]
        q_src = jnp.take(q, src_idx, axis=0)
        q_dst = jnp.take(q, dst_idx, axis=0)
        p_src = jnp.take(p, src_idx, axis=0)
        p_dst = jnp.take(p, dst_idx, axis=0)
        dq = p_src - p_dst
        dp = -(q_src - q_dst)
        msg_q = jnp.zeros_like(q).at[dst_idx].add(dq)  # computed (as in TF fallback) but unused
        msg_p = jnp.zeros_like(p).at[dst_idx].add(dp)
        p_half = p + 0.5 * DT * msg_p
        q_new = q + DT * p_half
        p_new = p_half + 0.5 * DT * msg_p
        # Kalman correction on node 0
        innovation = obs - q_new[0, :]
        q_new = q_new.at[0].set(q_new[0, :] + kalman_gain[:D] * innovation)
        p_new = p_new.at[0].set(p_new[0, :] + kalman_gain[D:] * innovation)
        return q_new, p_new

    out_q, out_p = jax.vmap(batch_step)(node_q, node_p, observations)
    return out_q, out_p

if __name__ == "__main__":
    import jax
    _d = setup_inputs()
    print(jax.jit(kernel)(*tuple(_d.values())))

</pallas_src>

<mosaic_0001>
#map = affine_map<(d0, d1) -> (0)>
#map1 = affine_map<(d0, d1) -> (0, 0)>
#map2 = affine_map<(d0, d1) -> (0, 0, 0)>
module attributes {stable_mosaic.version = 14 : i64} {
  func.func @k(%arg0: i32, %arg1: i32, %arg2: memref<320000xi32, #tpu.memory_space<hbm>>, %arg3: memref<320000xi32, #tpu.memory_space<hbm>>, %arg4: memref<10000x128xbf16, #tpu.memory_space<hbm>>, %arg5: memref<2x10000x128xbf16, #tpu.memory_space<hbm>>, %arg6: memref<32x10000xf32, #tpu.memory_space<hbm>>, %arg7: memref<400xi32, #tpu.memory_space<vmem>>, %arg8: memref<400xi32, #tpu.memory_space<vmem>>, %arg9: memref<400xi32, #tpu.memory_space<vmem>>, %arg10: memref<400xi32, #tpu.memory_space<vmem>>, %arg11: memref<400xi32, #tpu.memory_space<vmem>>, %arg12: memref<400xi32, #tpu.memory_space<vmem>>, %arg13: memref<400x128xbf16, #tpu.memory_space<vmem>>, %arg14: memref<400x128xbf16, #tpu.memory_space<vmem>>, %arg15: memref<400x128xbf16, #tpu.memory_space<vmem>>, %arg16: memref<10000xf32, #tpu.memory_space<vmem>>, %arg17: memref<10000x128xbf16, #tpu.memory_space<vmem_shared>>, %arg18: memref<!tpu.dma_semaphore, #tpu.memory_space<semaphore_mem>>, %arg19: memref<!tpu.dma_semaphore, #tpu.memory_space<semaphore_mem>>, %arg20: memref<!tpu.dma_semaphore, #tpu.memory_space<semaphore_mem>>, %arg21: memref<!tpu.dma_semaphore, #tpu.memory_space<semaphore_mem>>, %arg22: memref<!tpu.dma_semaphore, #tpu.memory_space<semaphore_mem>>, %arg23: memref<!tpu.dma_semaphore, #tpu.memory_space<semaphore_mem>>) attributes {dimension_semantics = [#tpu.dimension_semantics<core_parallel>, #tpu.dimension_semantics<subcore_parallel>], iteration_bounds = array<i64: 2, 16>, scalar_prefetch = 0 : i64, scratch_operands = 17 : i64, tpu.core_type = #tpu.core_type<sc_vector_subcore>, window_params = [{transform_indices = #map}, {transform_indices = #map}, {transform_indices = #map1}, {transform_indices = #map2}, {transform_indices = #map1}]} {
    %mul3A = arith.constant 1000 : i32
    %mul3A_0 = arith.muli %arg1, %mul3A : i32
    %broadcast_in_dim3A = arith.constant 0.000000e+00 : f32
    %broadcast_in_dim3A_1 = vector.broadcast %broadcast_in_dim3A : f32 to vector<16xf32>
    %broadcast_in_dim3A_2 = arith.constant 1.000000e+00 : f32
    %broadcast_in_dim3A_3 = vector.broadcast %broadcast_in_dim3A_2 : f32 to vector<16xf32>
    %broadcast_in_dim3A_4 = arith.constant 0.000000e+00 : bf16
    %broadcast_in_dim3A_5 = vector.broadcast %broadcast_in_dim3A_4 : bf16 to vector<32xbf16>
    %scan3A = arith.constant 0 : i32
    %scan3A_6 = arith.constant 0 : i32
    %scan3A_7 = arith.constant 400 : i32
    %scan3A_8 = arith.addi %scan3A_6, %scan3A_7 : i32
    %scan3A_9 = arith.constant 1 : i32
    scf.for %scan3A_110 = %scan3A_6 to %scan3A_8 step %scan3A_9  : i32 {
      %swap3A = arith.index_cast %scan3A_110 : i32 to index
      %swap3A_111 = arith.constant 0 : index
      %swap3A_112 = tpu.vector_load %arg13[%swap3A, %swap3A_111] {strides = array<i32>} : memref<400x128xbf16, #tpu.memory_space<vmem>>, vector<32xbf16>,
      tpu.vector_store %arg13[%swap3A, %swap3A_111], %broadcast_in_dim3A_5 {strides = array<i32>} : memref<400x128xbf16, #tpu.memory_space<vmem>>, vector<32xbf16>,
      %swap3A_113 = arith.index_cast %scan3A_110 : i32 to index
      %swap3A_114 = arith.constant 32 : index
      %swap3A_115 = tpu.vector_load %arg13[%swap3A_113, %swap3A_114] {strides = array<i32>} : memref<400x128xbf16, #tpu.memory_space<vmem>>, vector<32xbf16>,
      tpu.vector_store %arg13[%swap3A_113, %swap3A_114], %broadcast_in_dim3A_5 {strides = array<i32>} : memref<400x128xbf16, #tpu.memory_space<vmem>>, vector<32xbf16>,
      %swap3A_116 = arith.index_cast %scan3A_110 : i32 to index
      %swap3A_117 = arith.constant 64 : index
      %swap3A_118 = tpu.vector_load %arg13[%swap3A_116, %swap3A_117] {strides = array<i32>} : memref<400x128xbf16, #tpu.memory_space<vmem>>, vector<32xbf16>,
      tpu.vector_store %arg13[%swap3A_116, %swap3A_117], %broadcast_in_dim3A_5 {strides = array<i32>} : memref<400x128xbf16, #tpu.memory_space<vmem>>, vector<32xbf16>,
      %swap3A_119 = arith.index_cast %scan3A_110 : i32 to index
      %swap3A_120 = arith.constant 96 : index
      %swap3A_121 = tpu.vector_load %arg13[%swap3A_119, %swap3A_120] {strides = array<i32>} : memref<400x128xbf16, #tpu.memory_space<vmem>>, vector<32xbf16>,
      tpu.vector_store %arg13[%swap3A_119, %swap3A_120], %broadcast_in_dim3A_5 {strides = array<i32>} : memref<400x128xbf16, #tpu.memory_space<vmem>>, vector<32xbf16>,
    }
    %scan3A_10 = arith.constant 400 : i32
    %scan3A_11 = arith.constant 0 : i32
    %scan3A_12 = arith.constant 0 : i32
    %scan3A_13 = arith.constant 625 : i32
    %scan3A_14 = arith.addi %scan3A_12, %scan3A_13 : i32
    %scan3A_15 = arith.constant 1 : i32
    scf.for %scan3A_110 = %scan3A_12 to %scan3A_14 step %scan3A_15  : i32 {
      %mul3A_111 = arith.constant 16 : i32
      %mul3A_112 = arith.muli %scan3A_110, %mul3A_111 : i32
      %swap3A = arith.index_cast %mul3A_112 : i32 to index
      %swap3A_113 = tpu.vector_load %arg16[%swap3A] {strides = array<i32>} : memref<10000xf32, #tpu.memory_space<vmem>>, vector<16xf32>,
      tpu.vector_store %arg16[%swap3A], %broadcast_in_dim3A_1 {strides = array<i32>} : memref<10000xf32, #tpu.memory_space<vmem>>, vector<16xf32>,
    }
    %scan3A_16 = arith.constant 625 : i32
    %lt3A = arith.constant 10 : i32
    %lt3A_17 = arith.cmpi slt, %arg1, %lt3A : i32
    %convert_element_type3A = arith.extui %lt3A_17 : i1 to i32
    %cond3A = arith.constant 0 : i32
    %cond3A_18 = arith.cmpi ne, %convert_element_type3A, %cond3A : i32
    scf.if %cond3A_18 {
      %add3A_110 = arith.constant 0 : i32
      %add3A_111 = arith.addi %mul3A_0, %add3A_110 : i32
      "tpu.region"() ({
        %run_scoped3A = tpu.sem_alloc : memref<!tpu.dma_semaphore, #tpu.memory_space<semaphore_mem>>
        %dma_start3A_116 = arith.constant 0 : i32
        %dma_start3A_117 = tpu.memref_slice %arg17[%add3A_111, %dma_start3A_116] : memref<10000x128xbf16, #tpu.memory_space<vmem_shared>> -> memref<400x128xbf16, #tpu.memory_space<vmem_shared>>
        %dma_start3A_118 = arith.constant 0 : i32
        %dma_start3A_119 = tpu.memref_slice %arg17[%add3A_111, %dma_start3A_118] : memref<10000x128xbf16, #tpu.memory_space<vmem_shared>> -> memref<400x128xbf16, #tpu.memory_space<vmem_shared>>
        tpu.enqueue_dma source(%arg13 : memref<400x128xbf16, #tpu.memory_space<vmem>>) target(%dma_start3A_119 : memref<400x128xbf16, #tpu.memory_space<vmem_shared>>) target_semaphore(%run_scoped3A : memref<!tpu.dma_semaphore, #tpu.memory_space<semaphore_mem>>)
        %dma_wait3A_120 = arith.constant 0 : i32
        %dma_wait3A_121 = tpu.memref_slice %arg17[%add3A_111, %dma_wait3A_120] : memref<10000x128xbf16, #tpu.memory_space<vmem_shared>> -> memref<400x128xbf16, #tpu.memory_space<vmem_shared>>
        %dma_wait3A_122 = arith.constant 0 : i32
        %dma_wait3A_123 = tpu.memref_slice %arg17[%add3A_111, %dma_wait3A_122] : memref<10000x128xbf16, #tpu.memory_space<vmem_shared>> -> memref<400x128xbf16, #tpu.memory_space<vmem_shared>>
        tpu.wait_dma2 semaphore(%run_scoped3A : memref<!tpu.dma_semaphore, #tpu.memory_space<semaphore_mem>>) src(%arg13 : memref<400x128xbf16, #tpu.memory_space<vmem>>) dst(%dma_wait3A_123 : memref<400x128xbf16, #tpu.memory_space<vmem_shared>>)
        tpu.yield
      }) : () -> ()
      %add3A_112 = arith.constant 400 : i32
      %add3A_113 = arith.addi %mul3A_0, %add3A_112 : i32
      "tpu.region"() ({
        %run_scoped3A = tpu.sem_alloc : memref<!tpu.dma_semaphore, #tpu.memory_space<semaphore_mem>>
        %dma_start3A_116 = arith.constant 0 : i32
        %dma_start3A_117 = tpu.memref_slice %arg17[%add3A_113, %dma_start3A_116] : memref<10000x128xbf16, #tpu.memory_space<vmem_shared>> -> memref<400x128xbf16, #tpu.memory_space<vmem_shared>>
        %dma_start3A_118 = arith.constant 0 : i32
        %dma_start3A_119 = tpu.memref_slice %arg17[%add3A_113, %dma_start3A_118] : memref<10000x128xbf16, #tpu.memory_space<vmem_shared>> -> memref<400x128xbf16, #tpu.memory_space<vmem_shared>>
        tpu.enqueue_dma source(%arg13 : memref<400x128xbf16, #tpu.memory_space<vmem>>) target(%dma_start3A_119 : memref<400x128xbf16, #tpu.memory_space<vmem_shared>>) target_semaphore(%run_scoped3A : memref<!tpu.dma_semaphore, #tpu.memory_space<semaphore_mem>>)
        %dma_wait3A_120 = arith.constant 0 : i32
        %dma_wait3A_121 = tpu.memref_slice %arg17[%add3A_113, %dma_wait3A_120] : memref<10000x128xbf16, #tpu.memory_space<vmem_shared>> -> memref<400x128xbf16, #tpu.memory_space<vmem_shared>>
        %dma_wait3A_122 = arith.constant 0 : i32
        %dma_wait3A_123 = tpu.memref_slice %arg17[%add3A_113, %dma_wait3A_122] : memref<10000x128xbf16, #tpu.memory_space<vmem_shared>> -> memref<400x128xbf16, #tpu.memory_space<vmem_shared>>
        tpu.wait_dma2 semaphore(%run_scoped3A : memref<!tpu.dma_semaphore, #tpu.memory_space<semaphore_mem>>) src(%arg13 : memref<400x128xbf16, #tpu.memory_space<vmem>>) dst(%dma_wait3A_123 : memref<400x128xbf16, #tpu.memory_space<vmem_shared>>)
        tpu.yield
      }) : () -> ()
      %add3A_114 = arith.constant 800 : i32
      %add3A_115 = arith.addi %mul3A_0, %add3A_114 : i32
      "tpu.region"() ({
        %run_scoped3A = tpu.sem_alloc : memref<!tpu.dma_semaphore, #tpu.memory_space<semaphore_mem>>
        %dma_start3A_116 = arith.constant 0 : i32
        %dma_start3A_117 = arith.constant 0 : i32
        %dma_start3A_118 = tpu.memref_slice %arg13[%dma_start3A_116, %dma_start3A_117] : memref<400x128xbf16, #tpu.memory_space<vmem>> -> memref<200x128xbf16, #tpu.memory_space<vmem>>
        %dma_start3A_119 = arith.constant 0 : i32
        %dma_start3A_120 = tpu.memref_slice %arg17[%add3A_115, %dma_start3A_119] : memref<10000x128xbf16, #tpu.memory_space<vmem_shared>> -> memref<200x128xbf16, #tpu.memory_space<vmem_shared>>
        %dma_start3A_121 = arith.constant 0 : i32
        %dma_start3A_122 = tpu.memref_slice %arg17[%add3A_115, %dma_start3A_121] : memref<10000x128xbf16, #tpu.memory_space<vmem_shared>> -> memref<200x128xbf16, #tpu.memory_space<vmem_shared>>
        %dma_start3A_123 = arith.constant 0 : i32
        %dma_start3A_124 = arith.constant 0 : i32
        %dma_start3A_125 = tpu.memref_slice %arg13[%dma_start3A_123, %dma_start3A_124] : memref<400x128xbf16, #tpu.memory_space<vmem>> -> memref<200x128xbf16, #tpu.memory_space<vmem>>
        tpu.enqueue_dma source(%dma_start3A_125 : memref<200x128xbf16, #tpu.memory_space<vmem>>) target(%dma_start3A_122 : memref<200x128xbf16, #tpu.memory_space<vmem_shared>>) target_semaphore(%run_scoped3A : memref<!tpu.dma_semaphore, #tpu.memory_space<semaphore_mem>>)
        %dma_wait3A_126 = arith.constant 0 : i32
        %dma_wait3A_127 = arith.constant 0 : i32
        %dma_wait3A_128 = tpu.memref_slice %arg13[%dma_wait3A_126, %dma_wait3A_127] : memref<400x128xbf16, #tpu.memory_space<vmem>> -> memref<200x128xbf16, #tpu.memory_space<vmem>>
        %dma_wait3A_129 = arith.constant 0 : i32
        %dma_wait3A_130 = tpu.memref_slice %arg17[%add3A_115, %dma_wait3A_129] : memref<10000x128xbf16, #tpu.memory_space<vmem_shared>> -> memref<200x128xbf16, #tpu.memory_space<vmem_shared>>
        %dma_wait3A_131 = arith.constant 0 : i32
        %dma_wait3A_132 = tpu.memref_slice %arg17[%add3A_115, %dma_wait3A_131] : memref<10000x128xbf16, #tpu.memory_space<vmem_shared>> -> memref<200x128xbf16, #tpu.memory_space<vmem_shared>>
        %dma_wait3A_133 = arith.constant 0 : i32
        %dma_wait3A_134 = arith.constant 0 : i32
        %dma_wait3A_135 = tpu.memref_slice %arg13[%dma_wait3A_133, %dma_wait3A_134] : memref<400x128xbf16, #tpu.memory_space<vmem>> -> memref<200x128xbf16, #tpu.memory_space<vmem>>
        tpu.wait_dma2 semaphore(%run_scoped3A : memref<!tpu.dma_semaphore, #tpu.memory_space<semaphore_mem>>) src(%dma_wait3A_135 : memref<200x128xbf16, #tpu.memory_space<vmem>>) dst(%dma_wait3A_132 : memref<200x128xbf16, #tpu.memory_space<vmem_shared>>)
        tpu.yield
      }) : () -> ()
    } else {
    }
    %barrier3A = arith.constant 0 : index
    tpu.barrier barrier_id(%barrier3A)
    %mul3A_19 = arith.constant 16 : i32
    %mul3A_20 = arith.muli %arg0, %mul3A_19 : i32
    %add3A = arith.addi %mul3A_20, %arg1 : i32
    %mul3A_21 = arith.constant 10000 : i32
    %mul3A_22 = arith.muli %add3A, %mul3A_21 : i32
    %add3A_23 = arith.constant 0 : i32
    %add3A_24 = arith.addi %mul3A_22, %add3A_23 : i32
    "tpu.region"() ({
      %run_scoped3A = tpu.sem_alloc : memref<!tpu.dma_semaphore, #tpu.memory_space<semaphore_mem>>
      %dma_start3A_110 = tpu.memref_slice %arg2[%add3A_24] : memref<320000xi32, #tpu.memory_space<hbm>> -> memref<400xi32, #tpu.memory_space<hbm>>
      %dma_start3A_111 = tpu.memref_slice %arg2[%add3A_24] : memref<320000xi32, #tpu.memory_space<hbm>> -> memref<400xi32, #tpu.memory_space<hbm>>
      tpu.enqueue_dma source(%dma_start3A_111 : memref<400xi32, #tpu.memory_space<hbm>>) target(%arg7 : memref<400xi32, #tpu.memory_space<vmem>>) target_semaphore(%run_scoped3A : memref<!tpu.dma_semaphore, #tpu.memory_space<semaphore_mem>>)
      %dma_wait3A_112 = tpu.memref_slice %arg2[%add3A_24] : memref<320000xi32, #tpu.memory_space<hbm>> -> memref<400xi32, #tpu.memory_space<hbm>>
      %dma_wait3A_113 = tpu.memref_slice %arg2[%add3A_24] : memref<320000xi32, #tpu.memory_space<hbm>> -> memref<400xi32, #tpu.memory_space<hbm>>
      tpu.wait_dma2 semaphore(%run_scoped3A : memref<!tpu.dma_semaphore, #tpu.memory_space<semaphore_mem>>) src(%dma_wait3A_113 : memref<400xi32, #tpu.memory_space<hbm>>) dst(%arg7 : memref<400xi32, #tpu.memory_space<vmem>>)
      tpu.yield
    }) : () -> ()
    "tpu.region"() ({
      %run_scoped3A = tpu.sem_alloc : memref<!tpu.dma_semaphore, #tpu.memory_space<semaphore_mem>>
      %dma_start3A_110 = tpu.memref_slice %arg3[%add3A_24] : memref<320000xi32, #tpu.memory_space<hbm>> -> memref<400xi32, #tpu.memory_space<hbm>>
      %dma_start3A_111 = tpu.memref_slice %arg3[%add3A_24] : memref<320000xi32, #tpu.memory_space<hbm>> -> memref<400xi32, #tpu.memory_space<hbm>>
      tpu.enqueue_dma source(%dma_start3A_111 : memref<400xi32, #tpu.memory_space<hbm>>) target(%arg10 : memref<400xi32, #tpu.memory_space<vmem>>) target_semaphore(%run_scoped3A : memref<!tpu.dma_semaphore, #tpu.memory_space<semaphore_mem>>)
      %dma_wait3A_112 = tpu.memref_slice %arg3[%add3A_24] : memref<320000xi32, #tpu.memory_space<hbm>> -> memref<400xi32, #tpu.memory_space<hbm>>
      %dma_wait3A_113 = tpu.memref_slice %arg3[%add3A_24] : memref<320000xi32, #tpu.memory_space<hbm>> -> memref<400xi32, #tpu.memory_space<hbm>>
      tpu.wait_dma2 semaphore(%run_scoped3A : memref<!tpu.dma_semaphore, #tpu.memory_space<semaphore_mem>>) src(%dma_wait3A_113 : memref<400xi32, #tpu.memory_space<hbm>>) dst(%arg10 : memref<400xi32, #tpu.memory_space<vmem>>)
      tpu.yield
    }) : () -> ()
    %dma_start3A = arith.constant 0 : i32
    %dma_start3A_25 = arith.constant 0 : i32
    %dma_start3A_26 = tpu.memref_slice %arg4[%dma_start3A, %dma_start3A_25] : memref<10000x128xbf16, #tpu.memory_space<hbm>> -> memref<10000x128xbf16, #tpu.memory_space<hbm>>
    tpu.enqueue_indirect_dma source(%dma_start3A_26 : memref<10000x128xbf16, #tpu.memory_space<hbm>>) target(%arg13 : memref<400x128xbf16, #tpu.memory_space<vmem>>) offsets(%arg7 : memref<400xi32, #tpu.memory_space<vmem>>) semaphore(%arg18 : memref<!tpu.dma_semaphore, #tpu.memory_space<semaphore_mem>>)
    %add3A_27 = arith.constant 400 : i32
    %add3A_28 = arith.addi %mul3A_22, %add3A_27 : i32
    "tpu.region"() ({
      %run_scoped3A = tpu.sem_alloc : memref<!tpu.dma_semaphore, #tpu.memory_space<semaphore_mem>>
      %dma_start3A_110 = tpu.memref_slice %arg2[%add3A_28] : memref<320000xi32, #tpu.memory_space<hbm>> -> memref<400xi32, #tpu.memory_space<hbm>>
      %dma_start3A_111 = tpu.memref_slice %arg2[%add3A_28] : memref<320000xi32, #tpu.memory_space<hbm>> -> memref<400xi32, #tpu.memory_space<hbm>>
      tpu.enqueue_dma source(%dma_start3A_111 : memref<400xi32, #tpu.memory_space<hbm>>) target(%arg8 : memref<400xi32, #tpu.memory_space<vmem>>) target_semaphore(%run_scoped3A : memref<!tpu.dma_semaphore, #tpu.memory_space<semaphore_mem>>)
      %dma_wait3A_112 = tpu.memref_slice %arg2[%add3A_28] : memref<320000xi32, #tpu.memory_space<hbm>> -> memref<400xi32, #tpu.memory_space<hbm>>
      %dma_wait3A_113 = tpu.memref_slice %arg2[%add3A_28] : memref<320000xi32, #tpu.memory_space<hbm>> -> memref<400xi32, #tpu.memory_space<hbm>>
      tpu.wait_dma2 semaphore(%run_scoped3A : memref<!tpu.dma_semaphore, #tpu.memory_space<semaphore_mem>>) src(%dma_wait3A_113 : memref<400xi32, #tpu.memory_space<hbm>>) dst(%arg8 : memref<400xi32, #tpu.memory_space<vmem>>)
      tpu.yield
    }) : () -> ()
    "tpu.region"() ({
      %run_scoped3A = tpu.sem_alloc : memref<!tpu.dma_semaphore, #tpu.memory_space<semaphore_mem>>
      %dma_start3A_110 = tpu.memref_slice %arg3[%add3A_28] : memref<320000xi32, #tpu.memory_space<hbm>> -> memref<400xi32, #tpu.memory_space<hbm>>
      %dma_start3A_111 = tpu.memref_slice %arg3[%add3A_28] : memref<320000xi32, #tpu.memory_space<hbm>> -> memref<400xi32, #tpu.memory_space<hbm>>
      tpu.enqueue_dma source(%dma_start3A_111 : memref<400xi32, #tpu.memory_space<hbm>>) target(%arg11 : memref<400xi32, #tpu.memory_space<vmem>>) target_semaphore(%run_scoped3A : memref<!tpu.dma_semaphore, #tpu.memory_space<semaphore_mem>>)
      %dma_wait3A_112 = tpu.memref_slice %arg3[%add3A_28] : memref<320000xi32, #tpu.memory_space<hbm>> -> memref<400xi32, #tpu.memory_space<hbm>>
      %dma_wait3A_113 = tpu.memref_slice %arg3[%add3A_28] : memref<320000xi32, #tpu.memory_space<hbm>> -> memref<400xi32, #tpu.memory_space<hbm>>
      tpu.wait_dma2 semaphore(%run_scoped3A : memref<!tpu.dma_semaphore, #tpu.memory_space<semaphore_mem>>) src(%dma_wait3A_113 : memref<400xi32, #tpu.memory_space<hbm>>) dst(%arg11 : memref<400xi32, #tpu.memory_space<vmem>>)
      tpu.yield
    }) : () -> ()
    %dma_start3A_29 = arith.constant 0 : i32
    %dma_start3A_30 = arith.constant 0 : i32
    %dma_start3A_31 = tpu.memref_slice %arg4[%dma_start3A_29, %dma_start3A_30] : memref<10000x128xbf16, #tpu.memory_space<hbm>> -> memref<10000x128xbf16, #tpu.memory_space<hbm>>
    tpu.enqueue_indirect_dma source(%dma_start3A_31 : memref<10000x128xbf16, #tpu.memory_space<hbm>>) target(%arg14 : memref<400x128xbf16, #tpu.memory_space<vmem>>) offsets(%arg8 : memref<400xi32, #tpu.memory_space<vmem>>) semaphore(%arg19 : memref<!tpu.dma_semaphore, #tpu.memory_space<semaphore_mem>>)
    %scan3A_32 = arith.constant 0 : i32
    %scan3A_33 = arith.constant 0 : i32
    %scan3A_34 = arith.constant 8 : i32
    %scan3A_35 = arith.addi %scan3A_33, %scan3A_34 : i32
    %scan3A_36 = arith.constant 1 : i32
    scf.for %scan3A_110 = %scan3A_33 to %scan3A_35 step %scan3A_36  : i32 {
      %dma_wait3A_111 = arith.constant 0 : i32
      %dma_wait3A_112 = arith.constant 0 : i32
      %dma_wait3A_113 = tpu.memref_slice %arg4[%dma_wait3A_111, %dma_wait3A_112] : memref<10000x128xbf16, #tpu.memory_space<hbm>> -> memref<10000x128xbf16, #tpu.memory_space<hbm>>
      tpu.wait_indirect_dma semaphore(%arg18 : memref<!tpu.dma_semaphore, #tpu.memory_space<semaphore_mem>>) src(%dma_wait3A_113 : memref<10000x128xbf16, #tpu.memory_space<hbm>>) dst(%arg13 : memref<400x128xbf16, #tpu.memory_space<vmem>>)
      %dma_start3A_114 = arith.constant 0 : i32
      %dma_start3A_115 = arith.constant 0 : i32
      %dma_start3A_116 = tpu.memref_slice %arg17[%dma_start3A_114, %dma_start3A_115] : memref<10000x128xbf16, #tpu.memory_space<vmem_shared>> -> memref<10000x128xbf16, #tpu.memory_space<vmem_shared>>
      tpu.enqueue_indirect_dma source(%arg13 : memref<400x128xbf16, #tpu.memory_space<vmem>>) target(%dma_start3A_116 : memref<10000x128xbf16, #tpu.memory_space<vmem_shared>>) offsets(%arg10 : memref<400xi32, #tpu.memory_space<vmem>>) semaphore(%arg21 : memref<!tpu.dma_semaphore, #tpu.memory_space<semaphore_mem>>) {add = true}
      %gt3A = arith.constant 0 : i32
      %gt3A_117 = arith.cmpi sgt, %scan3A_110, %gt3A : i32
      %convert_element_type3A_118 = arith.extui %gt3A_117 : i1 to i32
      %cond3A_119 = arith.constant 0 : i32
      %cond3A_120 = arith.cmpi ne, %convert_element_type3A_118, %cond3A_119 : i32
      scf.if %cond3A_120 {
        %dma_wait3A_315 = arith.constant 0 : i32
        %dma_wait3A_316 = arith.constant 0 : i32
        %dma_wait3A_317 = tpu.memref_slice %arg17[%dma_wait3A_315, %dma_wait3A_316] : memref<10000x128xbf16, #tpu.memory_space<vmem_shared>> -> memref<10000x128xbf16, #tpu.memory_space<vmem_shared>>
        tpu.wait_indirect_dma semaphore(%arg23 : memref<!tpu.dma_semaphore, #tpu.memory_space<semaphore_mem>>) src(%arg15 : memref<400x128xbf16, #tpu.memory_space<vmem>>) dst(%dma_wait3A_317 : memref<10000x128xbf16, #tpu.memory_space<vmem_shared>>)
      } else {
      }
      %mul3A_121 = arith.constant 3 : i32
      %mul3A_122 = arith.muli %mul3A_121, %scan3A_110 : i32
      %add3A_123 = arith.constant 0 : i32
      %add3A_124 = arith.addi %mul3A_122, %add3A_123 : i32
      %add3A_125 = arith.constant 2 : i32
      %add3A_126 = arith.addi %add3A_124, %add3A_125 : i32
      %mul3A_127 = arith.constant 400 : i32
      %mul3A_128 = arith.muli %add3A_126, %mul3A_127 : i32
      %add3A_129 = arith.addi %mul3A_22, %mul3A_128 : i32
      "tpu.region"() ({
        %run_scoped3A = tpu.sem_alloc : memref<!tpu.dma_semaphore, #tpu.memory_space<semaphore_mem>>
        %dma_start3A_315 = tpu.memref_slice %arg2[%add3A_129] : memref<320000xi32, #tpu.memory_space<hbm>> -> memref<400xi32, #tpu.memory_space<hbm>>
        %dma_start3A_316 = tpu.memref_slice %arg2[%add3A_129] : memref<320000xi32, #tpu.memory_space<hbm>> -> memref<400xi32, #tpu.memory_space<hbm>>
        tpu.enqueue_dma source(%dma_start3A_316 : memref<400xi32, #tpu.memory_space<hbm>>) target(%arg9 : memref<400xi32, #tpu.memory_space<vmem>>) target_semaphore(%run_scoped3A : memref<!tpu.dma_semaphore, #tpu.memory_space<semaphore_mem>>)
        %dma_wait3A_317 = tpu.memref_slice %arg2[%add3A_129] : memref<320000xi32, #tpu.memory_space<hbm>> -> memref<400xi32, #tpu.memory_space<hbm>>
        %dma_wait3A_318 = tpu.memref_slice %arg2[%add3A_129] : memref<320000xi32, #tpu.memory_space<hbm>> -> memref<400xi32, #tpu.memory_space<hbm>>
        tpu.wait_dma2 semaphore(%run_scoped3A : memref<!tpu.dma_semaphore, #tpu.memory_space<semaphore_mem>>) src(%dma_wait3A_318 : memref<400xi32, #tpu.memory_space<hbm>>) dst(%arg9 : memref<400xi32, #tpu.memory_space<vmem>>)
        tpu.yield
      }) : () -> ()
      "tpu.region"() ({
        %run_scoped3A = tpu.sem_alloc : memref<!tpu.dma_semaphore, #tpu.memory_space<semaphore_mem>>
        %dma_start3A_315 = tpu.memref_slice %arg3[%add3A_129] : memref<320000xi32, #tpu.memory_space<hbm>> -> memref<400xi32, #tpu.memory_space<hbm>>
        %dma_start3A_316 = tpu.memref_slice %arg3[%add3A_129] : memref<320000xi32, #tpu.memory_space<hbm>> -> memref<400xi32, #tpu.memory_space<hbm>>
        tpu.enqueue_dma source(%dma_start3A_316 : memref<400xi32, #tpu.memory_space<hbm>>) target(%arg12 : memref<400xi32, #tpu.memory_space<vmem>>) target_semaphore(%run_scoped3A : memref<!tpu.dma_semaphore, #tpu.memory_space<semaphore_mem>>)
        %dma_wait3A_317 = tpu.memref_slice %arg3[%add3A_129] : memref<320000xi32, #tpu.memory_space<hbm>> -> memref<400xi32, #tpu.memory_space<hbm>>
        %dma_wait3A_318 = tpu.memref_slice %arg3[%add3A_129] : memref<320000xi32, #tpu.memory_space<hbm>> -> memref<400xi32, #tpu.memory_space<hbm>>
        tpu.wait_dma2 semaphore(%run_scoped3A : memref<!tpu.dma_semaphore, #tpu.memory_space<semaphore_mem>>) src(%dma_wait3A_318 : memref<400xi32, #tpu.memory_space<hbm>>) dst(%arg12 : memref<400xi32, #tpu.memory_space<vmem>>)
        tpu.yield
      }) : () -> ()
      %dma_start3A_130 = arith.constant 0 : i32
      %dma_start3A_131 = arith.constant 0 : i32
      %dma_start3A_132 = tpu.memref_slice %arg4[%dma_start3A_130, %dma_start3A_131] : memref<10000x128xbf16, #tpu.memory_space<hbm>> -> memref<10000x128xbf16, #tpu.memory_space<hbm>>
      tpu.enqueue_indirect_dma source(%dma_start3A_132 : memref<10000x128xbf16, #tpu.memory_space<hbm>>) target(%arg15 : memref<400x128xbf16, #tpu.memory_space<vmem>>) offsets(%arg9 : memref<400xi32, #tpu.memory_space<vmem>>) semaphore(%arg20 : memref<!tpu.dma_semaphore, #tpu.memory_space<semaphore_mem>>)
      %get3A_133 = arith.constant 0 : index
      %get3A_134 = tpu.vector_load %arg10[%get3A_133] {strides = array<i32>} : memref<400xi32, #tpu.memory_space<vmem>>, vector<16xi32>,
      tpu.vector_store_idx %arg16[%get3A_134], %broadcast_in_dim3A_3 {add = true} : memref<10000xf32, #tpu.memory_space<vmem>>[vector<16xi32>], vector<16xf32>,
      %get3A_135 = arith.constant 16 : index
      %get3A_136 = tpu.vector_load %arg10[%get3A_135] {strides = array<i32>} : memref<400xi32, #tpu.memory_space<vmem>>, vector<16xi32>,
      tpu.vector_store_idx %arg16[%get3A_136], %broadcast_in_dim3A_3 {add = true} : memref<10000xf32, #tpu.memory_space<vmem>>[vector<16xi32>], vector<16xf32>,
      %get3A_137 = arith.constant 32 : index
      %get3A_138 = tpu.vector_load %arg10[%get3A_137] {strides = array<i32>} : memref<400xi32, #tpu.memory_space<vmem>>, vector<16xi32>,
      tpu.vector_store_idx %arg16[%get3A_138], %broadcast_in_dim3A_3 {add = true} : memref<10000xf32, #tpu.memory_space<vmem>>[vector<16xi32>], vector<16xf32>,
      %get3A_139 = arith.constant 48 : index
      %get3A_140 = tpu.vector_load %arg10[%get3A_139] {strides = array<i32>} : memref<400xi32, #tpu.memory_space<vmem>>, vector<16xi32>,
      tpu.vector_store_idx %arg16[%get3A_140], %broadcast_in_dim3A_3 {add = true} : memref<10000xf32, #tpu.memory_space<vmem>>[vector<16xi32>], vector<16xf32>,
      %get3A_141 = arith.constant 64 : index
      %get3A_142 = tpu.vector_load %arg10[%get3A_141] {strides = array<i32>} : memref<400xi32, #tpu.memory_space<vmem>>, vector<16xi32>,
      tpu.vector_store_idx %arg16[%get3A_142], %broadcast_in_dim3A_3 {add = true} : memref<10000xf32, #tpu.memory_space<vmem>>[vector<16xi32>], vector<16xf32>,
      %get3A_143 = arith.constant 80 : index
      %get3A_144 = tpu.vector_load %arg10[%get3A_143] {strides = array<i32>} : memref<400xi32, #tpu.memory_space<vmem>>, vector<16xi32>,
      tpu.vector_store_idx %arg16[%get3A_144], %broadcast_in_dim3A_3 {add = true} : memref<10000xf32, #tpu.memory_space<vmem>>[vector<16xi32>], vector<16xf32>,
      %get3A_145 = arith.constant 96 : index
      %get3A_146 = tpu.vector_load %arg10[%get3A_145] {strides = array<i32>} : memref<400xi32, #tpu.memory_space<vmem>>, vector<16xi32>,
      tpu.vector_store_idx %arg16[%get3A_146], %broadcast_in_dim3A_3 {add = true} : memref<10000xf32, #tpu.memory_space<vmem>>[vector<16xi32>], vector<16xf32>,
      %get3A_147 = arith.constant 112 : index
      %get3A_148 = tpu.vector_load %arg10[%get3A_147] {strides = array<i32>} : memref<400xi32, #tpu.memory_space<vmem>>, vector<16xi32>,
      tpu.vector_store_idx %arg16[%get3A_148], %broadcast_in_dim3A_3 {add = true} : memref<10000xf32, #tpu.memory_space<vmem>>[vector<16xi32>], vector<16xf32>,
      %get3A_149 = arith.constant 128 : index
      %get3A_150 = tpu.vector_load %arg10[%get3A_149] {strides = array<i32>} : memref<400xi32, #tpu.memory_space<vmem>>, vector<16xi32>,
      tpu.vector_store_idx %arg16[%get3A_150], %broadcast_in_dim3A_3 {add = true} : memref<10000xf32, #tpu.memory_space<vmem>>[vector<16xi32>], vector<16xf32>,
      %get3A_151 = arith.constant 144 : index
      %get3A_152 = tpu.vector_load %arg10[%get3A_151] {strides = array<i32>} : memref<400xi32, #tpu.memory_space<vmem>>, vector<16xi32>,
      tpu.vector_store_idx %arg16[%get3A_152], %broadcast_in_dim3A_3 {add = true} : memref<10000xf32, #tpu.memory_space<vmem>>[vector<16xi32>], vector<16xf32>,
      %get3A_153 = arith.constant 160 : index
      %get3A_154 = tpu.vector_load %arg10[%get3A_153] {strides = array<i32>} : memref<400xi32, #tpu.memory_space<vmem>>, vector<16xi32>,
      tpu.vector_store_idx %arg16[%get3A_154], %broadcast_in_dim3A_3 {add = true} : memref<10000xf32, #tpu.memory_space<vmem>>[vector<16xi32>], vector<16xf32>,
      %get3A_155 = arith.constant 176 : index
      %get3A_156 = tpu.vector_load %arg10[%get3A_155] {strides = array<i32>} : memref<400xi32, #tpu.memory_space<vmem>>, vector<16xi32>,
      tpu.vector_store_idx %arg16[%get3A_156], %broadcast_in_dim3A_3 {add = true} : memref<10000xf32, #tpu.memory_space<vmem>>[vector<16xi32>], vector<16xf32>,
      %get3A_157 = arith.constant 192 : index
      %get3A_158 = tpu.vector_load %arg10[%get3A_157] {strides = array<i32>} : memref<400xi32, #tpu.memory_space<vmem>>, vector<16xi32>,
      tpu.vector_store_idx %arg16[%get3A_158], %broadcast_in_dim3A_3 {add = true} : memref<10000xf32, #tpu.memory_space<vmem>>[vector<16xi32>], vector<16xf32>,
      %get3A_159 = arith.constant 208 : index
      %get3A_160 = tpu.vector_load %arg10[%get3A_159] {strides = array<i32>} : memref<400xi32, #tpu.memory_space<vmem>>, vector<16xi32>,
      tpu.vector_store_idx %arg16[%get3A_160], %broadcast_in_dim3A_3 {add = true} : memref<10000xf32, #tpu.memory_space<vmem>>[vector<16xi32>], vector<16xf32>,
      %get3A_161 = arith.constant 224 : index
      %get3A_162 = tpu.vector_load %arg10[%get3A_161] {strides = array<i32>} : memref<400xi32, #tpu.memory_space<vmem>>, vector<16xi32>,
      tpu.vector_store_idx %arg16[%get3A_162], %broadcast_in_dim3A_3 {add = true} : memref<10000xf32, #tpu.memory_space<vmem>>[vector<16xi32>], vector<16xf32>,
      %get3A_163 = arith.constant 240 : index
      %get3A_164 = tpu.vector_load %arg10[%get3A_163] {strides = array<i32>} : memref<400xi32, #tpu.memory_space<vmem>>, vector<16xi32>,
      tpu.vector_store_idx %arg16[%get3A_164], %broadcast_in_dim3A_3 {add = true} : memref<10000xf32, #tpu.memory_space<vmem>>[vector<16xi32>], vector<16xf32>,
      %get3A_165 = arith.constant 256 : index
      %get3A_166 = tpu.vector_load %arg10[%get3A_165] {strides = array<i32>} : memref<400xi32, #tpu.memory_space<vmem>>, vector<16xi32>,
      tpu.vector_store_idx %arg16[%get3A_166], %broadcast_in_dim3A_3 {add = true} : memref<10000xf32, #tpu.memory_space<vmem>>[vector<16xi32>], vector<16xf32>,
      %get3A_167 = arith.constant 272 : index
      %get3A_168 = tpu.vector_load %arg10[%get3A_167] {strides = array<i32>} : memref<400xi32, #tpu.memory_space<vmem>>, vector<16xi32>,
      tpu.vector_store_idx %arg16[%get3A_168], %broadcast_in_dim3A_3 {add = true} : memref<10000xf32, #tpu.memory_space<vmem>>[vector<16xi32>], vector<16xf32>,
      %get3A_169 = arith.constant 288 : index
      %get3A_170 = tpu.vector_load %arg10[%get3A_169] {strides = array<i32>} : memref<400xi32, #tpu.memory_space<vmem>>, vector<16xi32>,
      tpu.vector_store_idx %arg16[%get3A_170], %broadcast_in_dim3A_3 {add = true} : memref<10000xf32, #tpu.memory_space<vmem>>[vector<16xi32>], vector<16xf32>,
      %get3A_171 = arith.constant 304 : index
      %get3A_172 = tpu.vector_load %arg10[%get3A_171] {strides = array<i32>} : memref<400xi32, #tpu.memory_space<vmem>>, vector<16xi32>,
      tpu.vector_store_idx %arg16[%get3A_172], %broadcast_in_dim3A_3 {add = true} : memref<10000xf32, #tpu.memory_space<vmem>>[vector<16xi32>], vector<16xf32>,
      %get3A_173 = arith.constant 320 : index
      %get3A_174 = tpu.vector_load %arg10[%get3A_173] {strides = array<i32>} : memref<400xi32, #tpu.memory_space<vmem>>, vector<16xi32>,
      tpu.vector_store_idx %arg16[%get3A_174], %broadcast_in_dim3A_3 {add = true} : memref<10000xf32, #tpu.memory_space<vmem>>[vector<16xi32>], vector<16xf32>,
      %get3A_175 = arith.constant 336 : index
      %get3A_176 = tpu.vector_load %arg10[%get3A_175] {strides = array<i32>} : memref<400xi32, #tpu.memory_space<vmem>>, vector<16xi32>,
      tpu.vector_store_idx %arg16[%get3A_176], %broadcast_in_dim3A_3 {add = true} : memref<10000xf32, #tpu.memory_space<vmem>>[vector<16xi32>], vector<16xf32>,
      %get3A_177 = arith.constant 352 : index
      %get3A_178 = tpu.vector_load %arg10[%get3A_177] {strides = array<i32>} : memref<400xi32, #tpu.memory_space<vmem>>, vector<16xi32>,
      tpu.vector_store_idx %arg16[%get3A_178], %broadcast_in_dim3A_3 {add = true} : memref<10000xf32, #tpu.memory_space<vmem>>[vector<16xi32>], vector<16xf32>,
      %get3A_179 = arith.constant 368 : index
      %get3A_180 = tpu.vector_load %arg10[%get3A_179] {strides = array<i32>} : memref<400xi32, #tpu.memory_space<vmem>>, vector<16xi32>,
      tpu.vector_store_idx %arg16[%get3A_180], %broadcast_in_dim3A_3 {add = true} : memref<10000xf32, #tpu.memory_space<vmem>>[vector<16xi32>], vector<16xf32>,
      %get3A_181 = arith.constant 384 : index
      %get3A_182 = tpu.vector_load %arg10[%get3A_181] {strides = array<i32>} : memref<400xi32, #tpu.memory_space<vmem>>, vector<16xi32>,
      tpu.vector_store_idx %arg16[%get3A_182], %broadcast_in_dim3A_3 {add = true} : memref<10000xf32, #tpu.memory_space<vmem>>[vector<16xi32>], vector<16xf32>,
      %dma_wait3A_183 = arith.constant 0 : i32
      %dma_wait3A_184 = arith.constant 0 : i32
      %dma_wait3A_185 = tpu.memref_slice %arg4[%dma_wait3A_183, %dma_wait3A_184] : memref<10000x128xbf16, #tpu.memory_space<hbm>> -> memref<10000x128xbf16, #tpu.memory_space<hbm>>
      tpu.wait_indirect_dma semaphore(%arg19 : memref<!tpu.dma_semaphore, #tpu.memory_space<semaphore_mem>>) src(%dma_wait3A_185 : memref<10000x128xbf16, #tpu.memory_space<hbm>>) dst(%arg14 : memref<400x128xbf16, #tpu.memory_space<vmem>>)
      %dma_start3A_186 = arith.constant 0 : i32
      %dma_start3A_187 = arith.constant 0 : i32
      %dma_start3A_188 = tpu.memref_slice %arg17[%dma_start3A_186, %dma_start3A_187] : memref<10000x128xbf16, #tpu.memory_space<vmem_shared>> -> memref<10000x128xbf16, #tpu.memory_space<vmem_shared>>
      tpu.enqueue_indirect_dma source(%arg14 : memref<400x128xbf16, #tpu.memory_space<vmem>>) target(%dma_start3A_188 : memref<10000x128xbf16, #tpu.memory_space<vmem_shared>>) offsets(%arg11 : memref<400xi32, #tpu.memory_space<vmem>>) semaphore(%arg22 : memref<!tpu.dma_semaphore, #tpu.memory_space<semaphore_mem>>) {add = true}
      %dma_wait3A_189 = arith.constant 0 : i32
      %dma_wait3A_190 = arith.constant 0 : i32
      %dma_wait3A_191 = tpu.memref_slice %arg17[%dma_wait3A_189, %dma_wait3A_190] : memref<10000x128xbf16, #tpu.memory_space<vmem_shared>> -> memref<10000x128xbf16, #tpu.memory_space<vmem_shared>>
      tpu.wait_indirect_dma semaphore(%arg21 : memref<!tpu.dma_semaphore, #tpu.memory_space<semaphore_mem>>) src(%arg13 : memref<400x128xbf16, #tpu.memory_space<vmem>>) dst(%dma_wait3A_191 : memref<10000x128xbf16, #tpu.memory_space<vmem_shared>>)
      %mul3A_192 = arith.constant 3 : i32
      %mul3A_193 = arith.muli %mul3A_192, %scan3A_110 : i32
      %add3A_194 = arith.constant 1 : i32
      %add3A_195 = arith.addi %mul3A_193, %add3A_194 : i32
      %add3A_196 = arith.constant 2 : i32
      %add3A_197 = arith.addi %add3A_195, %add3A_196 : i32
      %mul3A_198 = arith.constant 400 : i32
      %mul3A_199 = arith.muli %add3A_197, %mul3A_198 : i32
      %add3A_200 = arith.addi %mul3A_22, %mul3A_199 : i32
      "tpu.region"() ({
        %run_scoped3A = tpu.sem_alloc : memref<!tpu.dma_semaphore, #tpu.memory_space<semaphore_mem>>
        %dma_start3A_315 = tpu.memref_slice %arg2[%add3A_200] : memref<320000xi32, #tpu.memory_space<hbm>> -> memref<400xi32, #tpu.memory_space<hbm>>
        %dma_start3A_316 = tpu.memref_slice %arg2[%add3A_200] : memref<320000xi32, #tpu.memory_space<hbm>> -> memref<400xi32, #tpu.memory_space<hbm>>
        tpu.enqueue_dma source(%dma_start3A_316 : memref<400xi32, #tpu.memory_space<hbm>>) target(%arg7 : memref<400xi32, #tpu.memory_space<vmem>>) target_semaphore(%run_scoped3A : memref<!tpu.dma_semaphore, #tpu.memory_space<semaphore_mem>>)
        %dma_wait3A_317 = tpu.memref_slice %arg2[%add3A_200] : memref<320000xi32, #tpu.memory_space<hbm>> -> memref<400xi32, #tpu.memory_space<hbm>>
        %dma_wait3A_318 = tpu.memref_slice %arg2[%add3A_200] : memref<320000xi32, #tpu.memory_space<hbm>> -> memref<400xi32, #tpu.memory_space<hbm>>
        tpu.wait_dma2 semaphore(%run_scoped3A : memref<!tpu.dma_semaphore, #tpu.memory_space<semaphore_mem>>) src(%dma_wait3A_318 : memref<400xi32, #tpu.memory_space<hbm>>) dst(%arg7 : memref<400xi32, #tpu.memory_space<vmem>>)
        tpu.yield
      }) : () -> ()
      "tpu.region"() ({
        %run_scoped3A = tpu.sem_alloc : memref<!tpu.dma_semaphore, #tpu.memory_space<semaphore_mem>>
        %dma_start3A_315 = tpu.memref_slice %arg3[%add3A_200] : memref<320000xi32, #tpu.memory_space<hbm>> -> memref<400xi32, #tpu.memory_space<hbm>>
        %dma_start3A_316 = tpu.memref_slice %arg3[%add3A_200] : memref<320000xi32, #tpu.memory_space<hbm>> -> memref<400xi32, #tpu.memory_space<hbm>>
        tpu.enqueue_dma source(%dma_start3A_316 : memref<400xi32, #tpu.memory_space<hbm>>) target(%arg10 : memref<400xi32, #tpu.memory_space<vmem>>) target_semaphore(%run_scoped3A : memref<!tpu.dma_semaphore, #tpu.memory_space<semaphore_mem>>)
        %dma_wait3A_317 = tpu.memref_slice %arg3[%add3A_200] : memref<320000xi32, #tpu.memory_space<hbm>> -> memref<400xi32, #tpu.memory_space<hbm>>
        %dma_wait3A_318 = tpu.memref_slice %arg3[%add3A_200] : memref<320000xi32, #tpu.memory_space<hbm>> -> memref<400xi32, #tpu.memory_space<hbm>>
        tpu.wait_dma2 semaphore(%run_scoped3A : memref<!tpu.dma_semaphore, #tpu.memory_space<semaphore_mem>>) src(%dma_wait3A_318 : memref<400xi32, #tpu.memory_space<hbm>>) dst(%arg10 : memref<400xi32, #tpu.memory_space<vmem>>)
        tpu.yield
      }) : () -> ()
      %dma_start3A_201 = arith.constant 0 : i32
      %dma_start3A_202 = arith.constant 0 : i32
      %dma_start3A_203 = tpu.memref_slice %arg4[%dma_start3A_201, %dma_start3A_202] : memref<10000x128xbf16, #tpu.memory_space<hbm>> -> memref<10000x128xbf16, #tpu.memory_space<hbm>>
      tpu.enqueue_indirect_dma source(%dma_start3A_203 : memref<10000x128xbf16, #tpu.memory_space<hbm>>) target(%arg13 : memref<400x128xbf16, #tpu.memory_space<vmem>>) offsets(%arg7 : memref<400xi32, #tpu.memory_space<vmem>>) semaphore(%arg18 : memref<!tpu.dma_semaphore, #tpu.memory_space<semaphore_mem>>)
      %get3A_204 = arith.constant 0 : index
      %get3A_205 = tpu.vector_load %arg11[%get3A_204] {strides = array<i32>} : memref<400xi32, #tpu.memory_space<vmem>>, vector<16xi32>,
      tpu.vector_store_idx %arg16[%get3A_205], %broadcast_in_dim3A_3 {add = true} : memref<10000xf32, #tpu.memory_space<vmem>>[vector<16xi32>], vector<16xf32>,
      %get3A_206 = arith.constant 16 : index
      %get3A_207 = tpu.vector_load %arg11[%get3A_206] {strides = array<i32>} : memref<400xi32, #tpu.memory_space<vmem>>, vector<16xi32>,
      tpu.vector_store_idx %arg16[%get3A_207], %broadcast_in_dim3A_3 {add = true} : memref<10000xf32, #tpu.memory_space<vmem>>[vector<16xi32>], vector<16xf32>,
      %get3A_208 = arith.constant 32 : index
      %get3A_209 = tpu.vector_load %arg11[%get3A_208] {strides = array<i32>} : memref<400xi32, #tpu.memory_space<vmem>>, vector<16xi32>,
      tpu.vector_store_idx %arg16[%get3A_209], %broadcast_in_dim3A_3 {add = true} : memref<10000xf32, #tpu.memory_space<vmem>>[vector<16xi32>], vector<16xf32>,
      %get3A_210 = arith.constant 48 : index
      %get3A_211 = tpu.vector_load %arg11[%get3A_210] {strides = array<i32>} : memref<400xi32, #tpu.memory_space<vmem>>, vector<16xi32>,
      tpu.vector_store_idx %arg16[%get3A_211], %broadcast_in_dim3A_3 {add = true} : memref<10000xf32, #tpu.memory_space<vmem>>[vector<16xi32>], vector<16xf32>,
      %get3A_212 = arith.constant 64 : index
      %get3A_213 = tpu.vector_load %arg11[%get3A_212] {strides = array<i32>} : memref<400xi32, #tpu.memory_space<vmem>>, vector<16xi32>,
      tpu.vector_store_idx %arg16[%get3A_213], %broadcast_in_dim3A_3 {add = true} : memref<10000xf32, #tpu.memory_space<vmem>>[vector<16xi32>], vector<16xf32>,
      %get3A_214 = arith.constant 80 : index
      %get3A_215 = tpu.vector_load %arg11[%get3A_214] {strides = array<i32>} : memref<400xi32, #tpu.memory_space<vmem>>, vector<16xi32>,
      tpu.vector_store_idx %arg16[%get3A_215], %broadcast_in_dim3A_3 {add = true} : memref<10000xf32, #tpu.memory_space<vmem>>[vector<16xi32>], vector<16xf32>,
      %get3A_216 = arith.constant 96 : index
      %get3A_217 = tpu.vector_load %arg11[%get3A_216] {strides = array<i32>} : memref<400xi32, #tpu.memory_space<vmem>>, vector<16xi32>,
      tpu.vector_store_idx %arg16[%get3A_217], %broadcast_in_dim3A_3 {add = true} : memref<10000xf32, #tpu.memory_space<vmem>>[vector<16xi32>], vector<16xf32>,
      %get3A_218 = arith.constant 112 : index
      %get3A_219 = tpu.vector_load %arg11[%get3A_218] {strides = array<i32>} : memref<400xi32, #tpu.memory_space<vmem>>, vector<16xi32>,
      tpu.vector_store_idx %arg16[%get3A_219], %broadcast_in_dim3A_3 {add = true} : memref<10000xf32, #tpu.memory_space<vmem>>[vector<16xi32>], vector<16xf32>,
      %get3A_220 = arith.constant 128 : index
      %get3A_221 = tpu.vector_load %arg11[%get3A_220] {strides = array<i32>} : memref<400xi32, #tpu.memory_space<vmem>>, vector<16xi32>,
      tpu.vector_store_idx %arg16[%get3A_221], %broadcast_in_dim3A_3 {add = true} : memref<10000xf32, #tpu.memory_space<vmem>>[vector<16xi32>], vector<16xf32>,
      %get3A_222 = arith.constant 144 : index
      %get3A_223 = tpu.vector_load %arg11[%get3A_222] {strides = array<i32>} : memref<400xi32, #tpu.memory_space<vmem>>, vector<16xi32>,
      tpu.vector_store_idx %arg16[%get3A_223], %broadcast_in_dim3A_3 {add = true} : memref<10000xf32, #tpu.memory_space<vmem>>[vector<16xi32>], vector<16xf32>,
      %get3A_224 = arith.constant 160 : index
      %get3A_225 = tpu.vector_load %arg11[%get3A_224] {strides = array<i32>} : memref<400xi32, #tpu.memory_space<vmem>>, vector<16xi32>,
      tpu.vector_store_idx %arg16[%get3A_225], %broadcast_in_dim3A_3 {add = true} : memref<10000xf32, #tpu.memory_space<vmem>>[vector<16xi32>], vector<16xf32>,
      %get3A_226 = arith.constant 176 : index
      %get3A_227 = tpu.vector_load %arg11[%get3A_226] {strides = array<i32>} : memref<400xi32, #tpu.memory_space<vmem>>, vector<16xi32>,
      tpu.vector_store_idx %arg16[%get3A_227], %broadcast_in_dim3A_3 {add = true} : memref<10000xf32, #tpu.memory_space<vmem>>[vector<16xi32>], vector<16xf32>,
      %get3A_228 = arith.constant 192 : index
      %get3A_229 = tpu.vector_load %arg11[%get3A_228] {strides = array<i32>} : memref<400xi32, #tpu.memory_space<vmem>>, vector<16xi32>,
      tpu.vector_store_idx %arg16[%get3A_229], %broadcast_in_dim3A_3 {add = true} : memref<10000xf32, #tpu.memory_space<vmem>>[vector<16xi32>], vector<16xf32>,
      %get3A_230 = arith.constant 208 : index
      %get3A_231 = tpu.vector_load %arg11[%get3A_230] {strides = array<i32>} : memref<400xi32, #tpu.memory_space<vmem>>, vector<16xi32>,
      tpu.vector_store_idx %arg16[%get3A_231], %broadcast_in_dim3A_3 {add = true} : memref<10000xf32, #tpu.memory_space<vmem>>[vector<16xi32>], vector<16xf32>,
      %get3A_232 = arith.constant 224 : index
      %get3A_233 = tpu.vector_load %arg11[%get3A_232] {strides = array<i32>} : memref<400xi32, #tpu.memory_space<vmem>>, vector<16xi32>,
      tpu.vector_store_idx %arg16[%get3A_233], %broadcast_in_dim3A_3 {add = true} : memref<10000xf32, #tpu.memory_space<vmem>>[vector<16xi32>], vector<16xf32>,
      %get3A_234 = arith.constant 240 : index
      %get3A_235 = tpu.vector_load %arg11[%get3A_234] {strides = array<i32>} : memref<400xi32, #tpu.memory_space<vmem>>, vector<16xi32>,
      tpu.vector_store_idx %arg16[%get3A_235], %broadcast_in_dim3A_3 {add = true} : memref<10000xf32, #tpu.memory_space<vmem>>[vector<16xi32>], vector<16xf32>,
      %get3A_236 = arith.constant 256 : index
      %get3A_237 = tpu.vector_load %arg11[%get3A_236] {strides = array<i32>} : memref<400xi32, #tpu.memory_space<vmem>>, vector<16xi32>,
      tpu.vector_store_idx %arg16[%get3A_237], %broadcast_in_dim3A_3 {add = true} : memref<10000xf32, #tpu.memory_space<vmem>>[vector<16xi32>], vector<16xf32>,
      %get3A_238 = arith.constant 272 : index
      %get3A_239 = tpu.vector_load %arg11[%get3A_238] {strides = array<i32>} : memref<400xi32, #tpu.memory_space<vmem>>, vector<16xi32>,
      tpu.vector_store_idx %arg16[%get3A_239], %broadcast_in_dim3A_3 {add = true} : memref<10000xf32, #tpu.memory_space<vmem>>[vector<16xi32>], vector<16xf32>,
      %get3A_240 = arith.constant 288 : index
      %get3A_241 = tpu.vector_load %arg11[%get3A_240] {strides = array<i32>} : memref<400xi32, #tpu.memory_space<vmem>>, vector<16xi32>,
      tpu.vector_store_idx %arg16[%get3A_241], %broadcast_in_dim3A_3 {add = true} : memref<10000xf32, #tpu.memory_space<vmem>>[vector<16xi32>], vector<16xf32>,
      %get3A_242 = arith.constant 304 : index
      %get3A_243 = tpu.vector_load %arg11[%get3A_242] {strides = array<i32>} : memref<400xi32, #tpu.memory_space<vmem>>, vector<16xi32>,
      tpu.vector_store_idx %arg16[%get3A_243], %broadcast_in_dim3A_3 {add = true} : memref<10000xf32, #tpu.memory_space<vmem>>[vector<16xi32>], vector<16xf32>,
      %get3A_244 = arith.constant 320 : index
      %get3A_245 = tpu.vector_load %arg11[%get3A_244] {strides = array<i32>} : memref<400xi32, #tpu.memory_space<vmem>>, vector<16xi32>,
      tpu.vector_store_idx %arg16[%get3A_245], %broadcast_in_dim3A_3 {add = true} : memref<10000xf32, #tpu.memory_space<vmem>>[vector<16xi32>], vector<16xf32>,
      %get3A_246 = arith.constant 336 : index
      %get3A_247 = tpu.vector_load %arg11[%get3A_246] {strides = array<i32>} : memref<400xi32, #tpu.memory_space<vmem>>, vector<16xi32>,
      tpu.vector_store_idx %arg16[%get3A_247], %broadcast_in_dim3A_3 {add = true} : memref<10000xf32, #tpu.memory_space<vmem>>[vector<16xi32>], vector<16xf32>,
      %get3A_248 = arith.constant 352 : index
      %get3A_249 = tpu.vector_load %arg11[%get3A_248] {strides = array<i32>} : memref<400xi32, #tpu.memory_space<vmem>>, vector<16xi32>,
      tpu.vector_store_idx %arg16[%get3A_249], %broadcast_in_dim3A_3 {add = true} : memref<10000xf32, #tpu.memory_space<vmem>>[vector<16xi32>], vector<16xf32>,
      %get3A_250 = arith.constant 368 : index
      %get3A_251 = tpu.vector_load %arg11[%get3A_250] {strides = array<i32>} : memref<400xi32, #tpu.memory_space<vmem>>, vector<16xi32>,
      tpu.vector_store_idx %arg16[%get3A_251], %broadcast_in_dim3A_3 {add = true} : memref<10000xf32, #tpu.memory_space<vmem>>[vector<16xi32>], vector<16xf32>,
      %get3A_252 = arith.constant 384 : index
      %get3A_253 = tpu.vector_load %arg11[%get3A_252] {strides = array<i32>} : memref<400xi32, #tpu.memory_space<vmem>>, vector<16xi32>,
      tpu.vector_store_idx %arg16[%get3A_253], %broadcast_in_dim3A_3 {add = true} : memref<10000xf32, #tpu.memory_space<vmem>>[vector<16xi32>], vector<16xf32>,
      %dma_wait3A_254 = arith.constant 0 : i32
      %dma_wait3A_255 = arith.constant 0 : i32
      %dma_wait3A_256 = tpu.memref_slice %arg4[%dma_wait3A_254, %dma_wait3A_255] : memref<10000x128xbf16, #tpu.memory_space<hbm>> -> memref<10000x128xbf16, #tpu.memory_space<hbm>>
      tpu.wait_indirect_dma semaphore(%arg20 : memref<!tpu.dma_semaphore, #tpu.memory_space<semaphore_mem>>) src(%dma_wait3A_256 : memref<10000x128xbf16, #tpu.memory_space<hbm>>) dst(%arg15 : memref<400x128xbf16, #tpu.memory_space<vmem>>)
      %dma_start3A_257 = arith.constant 0 : i32
      %dma_start3A_258 = arith.constant 0 : i32
      %dma_start3A_259 = tpu.memref_slice %arg17[%dma_start3A_257, %dma_start3A_258] : memref<10000x128xbf16, #tpu.memory_space<vmem_shared>> -> memref<10000x128xbf16, #tpu.memory_space<vmem_shared>>
      tpu.enqueue_indirect_dma source(%arg15 : memref<400x128xbf16, #tpu.memory_space<vmem>>) target(%dma_start3A_259 : memref<10000x128xbf16, #tpu.memory_space<vmem_shared>>) offsets(%arg12 : memref<400xi32, #tpu.memory_space<vmem>>) semaphore(%arg23 : memref<!tpu.dma_semaphore, #tpu.memory_space<semaphore_mem>>) {add = true}
      %lt3A_260 = arith.constant 7 : i32
      %lt3A_261 = arith.cmpi slt, %scan3A_110, %lt3A_260 : i32
      %convert_element_type3A_262 = arith.extui %lt3A_261 : i1 to i32
      %cond3A_263 = arith.constant 0 : i32
      %cond3A_264 = arith.cmpi ne, %convert_element_type3A_262, %cond3A_263 : i32
      scf.if %cond3A_264 {
        %dma_wait3A_315 = arith.constant 0 : i32
        %dma_wait3A_316 = arith.constant 0 : i32
        %dma_wait3A_317 = tpu.memref_slice %arg17[%dma_wait3A_315, %dma_wait3A_316] : memref<10000x128xbf16, #tpu.memory_space<vmem_shared>> -> memref<10000x128xbf16, #tpu.memory_space<vmem_shared>>
        tpu.wait_indirect_dma semaphore(%arg22 : memref<!tpu.dma_semaphore, #tpu.memory_space<semaphore_mem>>) src(%arg14 : memref<400x128xbf16, #tpu.memory_space<vmem>>) dst(%dma_wait3A_317 : memref<10000x128xbf16, #tpu.memory_space<vmem_shared>>)
        %mul3A_318 = arith.constant 3 : i32
        %mul3A_319 = arith.muli %mul3A_318, %scan3A_110 : i32
        %add3A_320 = arith.constant 2 : i32
        %add3A_321 = arith.addi %mul3A_319, %add3A_320 : i32
        %add3A_322 = arith.constant 2 : i32
        %add3A_323 = arith.addi %add3A_321, %add3A_322 : i32
        %mul3A_324 = arith.constant 400 : i32
        %mul3A_325 = arith.muli %add3A_323, %mul3A_324 : i32
        %add3A_326 = arith.addi %mul3A_22, %mul3A_325 : i32
        "tpu.region"() ({
          %run_scoped3A = tpu.sem_alloc : memref<!tpu.dma_semaphore, #tpu.memory_space<semaphore_mem>>
          %dma_start3A_330 = tpu.memref_slice %arg2[%add3A_326] : memref<320000xi32, #tpu.memory_space<hbm>> -> memref<400xi32, #tpu.memory_space<hbm>>
          %dma_start3A_331 = tpu.memref_slice %arg2[%add3A_326] : memref<320000xi32, #tpu.memory_space<hbm>> -> memref<400xi32, #tpu.memory_space<hbm>>
          tpu.enqueue_dma source(%dma_start3A_331 : memref<400xi32, #tpu.memory_space<hbm>>) target(%arg8 : memref<400xi32, #tpu.memory_space<vmem>>) target_semaphore(%run_scoped3A : memref<!tpu.dma_semaphore, #tpu.memory_space<semaphore_mem>>)
          %dma_wait3A_332 = tpu.memref_slice %arg2[%add3A_326] : memref<320000xi32, #tpu.memory_space<hbm>> -> memref<400xi32, #tpu.memory_space<hbm>>
          %dma_wait3A_333 = tpu.memref_slice %arg2[%add3A_326] : memref<320000xi32, #tpu.memory_space<hbm>> -> memref<400xi32, #tpu.memory_space<hbm>>
          tpu.wait_dma2 semaphore(%run_scoped3A : memref<!tpu.dma_semaphore, #tpu.memory_space<semaphore_mem>>) src(%dma_wait3A_333 : memref<400xi32, #tpu.memory_space<hbm>>) dst(%arg8 : memref<400xi32, #tpu.memory_space<vmem>>)
          tpu.yield
        }) : () -> ()
        "tpu.region"() ({
          %run_scoped3A = tpu.sem_alloc : memref<!tpu.dma_semaphore, #tpu.memory_space<semaphore_mem>>
          %dma_start3A_330 = tpu.memref_slice %arg3[%add3A_326] : memref<320000xi32, #tpu.memory_space<hbm>> -> memref<400xi32, #tpu.memory_space<hbm>>
          %dma_start3A_331 = tpu.memref_slice %arg3[%add3A_326] : memref<320000xi32, #tpu.memory_space<hbm>> -> memref<400xi32, #tpu.memory_space<hbm>>
          tpu.enqueue_dma source(%dma_start3A_331 : memref<400xi32, #tpu.memory_space<hbm>>) target(%arg11 : memref<400xi32, #tpu.memory_space<vmem>>) target_semaphore(%run_scoped3A : memref<!tpu.dma_semaphore, #tpu.memory_space<semaphore_mem>>)
          %dma_wait3A_332 = tpu.memref_slice %arg3[%add3A_326] : memref<320000xi32, #tpu.memory_space<hbm>> -> memref<400xi32, #tpu.memory_space<hbm>>
          %dma_wait3A_333 = tpu.memref_slice %arg3[%add3A_326] : memref<320000xi32, #tpu.memory_space<hbm>> -> memref<400xi32, #tpu.memory_space<hbm>>
          tpu.wait_dma2 semaphore(%run_scoped3A : memref<!tpu.dma_semaphore, #tpu.memory_space<semaphore_mem>>) src(%dma_wait3A_333 : memref<400xi32, #tpu.memory_space<hbm>>) dst(%arg11 : memref<400xi32, #tpu.memory_space<vmem>>)
          tpu.yield
        }) : () -> ()
        %dma_start3A_327 = arith.constant 0 : i32
        %dma_start3A_328 = arith.constant 0 : i32
        %dma_start3A_329 = tpu.memref_slice %arg4[%dma_start3A_327, %dma_start3A_328] : memref<10000x128xbf16, #tpu.memory_space<hbm>> -> memref<10000x128xbf16, #tpu.memory_space<hbm>>
        tpu.enqueue_indirect_dma source(%dma_start3A_329 : memref<10000x128xbf16, #tpu.memory_space<hbm>>) target(%arg14 : memref<400x128xbf16, #tpu.memory_space<vmem>>) offsets(%arg8 : memref<400xi32, #tpu.memory_space<vmem>>) semaphore(%arg19 : memref<!tpu.dma_semaphore, #tpu.memory_space<semaphore_mem>>)
      } else {
      }
      %get3A_265 = arith.constant 0 : index
      %get3A_266 = tpu.vector_load %arg12[%get3A_265] {strides = array<i32>} : memref<400xi32, #tpu.memory_space<vmem>>, vector<16xi32>,
      tpu.vector_store_idx %arg16[%get3A_266], %broadcast_in_dim3A_3 {add = true} : memref<10000xf32, #tpu.memory_space<vmem>>[vector<16xi32>], vector<16xf32>,
      %get3A_267 = arith.constant 16 : index
      %get3A_268 = tpu.vector_load %arg12[%get3A_267] {strides = array<i32>} : memref<400xi32, #tpu.memory_space<vmem>>, vector<16xi32>,
      tpu.vector_store_idx %arg16[%get3A_268], %broadcast_in_dim3A_3 {add = true} : memref<10000xf32, #tpu.memory_space<vmem>>[vector<16xi32>], vector<16xf32>,
      %get3A_269 = arith.constant 32 : index
      %get3A_270 = tpu.vector_load %arg12[%get3A_269] {strides = array<i32>} : memref<400xi32, #tpu.memory_space<vmem>>, vector<16xi32>,
      tpu.vector_store_idx %arg16[%get3A_270], %broadcast_in_dim3A_3 {add = true} : memref<10000xf32, #tpu.memory_space<vmem>>[vector<16xi32>], vector<16xf32>,
      %get3A_271 = arith.constant 48 : index
      %get3A_272 = tpu.vector_load %arg12[%get3A_271] {strides = array<i32>} : memref<400xi32, #tpu.memory_space<vmem>>, vector<16xi32>,
      tpu.vector_store_idx %arg16[%get3A_272], %broadcast_in_dim3A_3 {add = true} : memref<10000xf32, #tpu.memory_space<vmem>>[vector<16xi32>], vector<16xf32>,
      %get3A_273 = arith.constant 64 : index
      %get3A_274 = tpu.vector_load %arg12[%get3A_273] {strides = array<i32>} : memref<400xi32, #tpu.memory_space<vmem>>, vector<16xi32>,
      tpu.vector_store_idx %arg16[%get3A_274], %broadcast_in_dim3A_3 {add = true} : memref<10000xf32, #tpu.memory_space<vmem>>[vector<16xi32>], vector<16xf32>,
      %get3A_275 = arith.constant 80 : index
      %get3A_276 = tpu.vector_load %arg12[%get3A_275] {strides = array<i32>} : memref<400xi32, #tpu.memory_space<vmem>>, vector<16xi32>,
      tpu.vector_store_idx %arg16[%get3A_276], %broadcast_in_dim3A_3 {add = true} : memref<10000xf32, #tpu.memory_space<vmem>>[vector<16xi32>], vector<16xf32>,
      %get3A_277 = arith.constant 96 : index
      %get3A_278 = tpu.vector_load %arg12[%get3A_277] {strides = array<i32>} : memref<400xi32, #tpu.memory_space<vmem>>, vector<16xi32>,
      tpu.vector_store_idx %arg16[%get3A_278], %broadcast_in_dim3A_3 {add = true} : memref<10000xf32, #tpu.memory_space<vmem>>[vector<16xi32>], vector<16xf32>,
      %get3A_279 = arith.constant 112 : index
      %get3A_280 = tpu.vector_load %arg12[%get3A_279] {strides = array<i32>} : memref<400xi32, #tpu.memory_space<vmem>>, vector<16xi32>,
      tpu.vector_store_idx %arg16[%get3A_280], %broadcast_in_dim3A_3 {add = true} : memref<10000xf32, #tpu.memory_space<vmem>>[vector<16xi32>], vector<16xf32>,
      %get3A_281 = arith.constant 128 : index
      %get3A_282 = tpu.vector_load %arg12[%get3A_281] {strides = array<i32>} : memref<400xi32, #tpu.memory_space<vmem>>, vector<16xi32>,
      tpu.vector_store_idx %arg16[%get3A_282], %broadcast_in_dim3A_3 {add = true} : memref<10000xf32, #tpu.memory_space<vmem>>[vector<16xi32>], vector<16xf32>,
      %get3A_283 = arith.constant 144 : index
      %get3A_284 = tpu.vector_load %arg12[%get3A_283] {strides = array<i32>} : memref<400xi32, #tpu.memory_space<vmem>>, vector<16xi32>,
      tpu.vector_store_idx %arg16[%get3A_284], %broadcast_in_dim3A_3 {add = true} : memref<10000xf32, #tpu.memory_space<vmem>>[vector<16xi32>], vector<16xf32>,
      %get3A_285 = arith.constant 160 : index
      %get3A_286 = tpu.vector_load %arg12[%get3A_285] {strides = array<i32>} : memref<400xi32, #tpu.memory_space<vmem>>, vector<16xi32>,
      tpu.vector_store_idx %arg16[%get3A_286], %broadcast_in_dim3A_3 {add = true} : memref<10000xf32, #tpu.memory_space<vmem>>[vector<16xi32>], vector<16xf32>,
      %get3A_287 = arith.constant 176 : index
      %get3A_288 = tpu.vector_load %arg12[%get3A_287] {strides = array<i32>} : memref<400xi32, #tpu.memory_space<vmem>>, vector<16xi32>,
      tpu.vector_store_idx %arg16[%get3A_288], %broadcast_in_dim3A_3 {add = true} : memref<10000xf32, #tpu.memory_space<vmem>>[vector<16xi32>], vector<16xf32>,
      %get3A_289 = arith.constant 192 : index
      %get3A_290 = tpu.vector_load %arg12[%get3A_289] {strides = array<i32>} : memref<400xi32, #tpu.memory_space<vmem>>, vector<16xi32>,
      tpu.vector_store_idx %arg16[%get3A_290], %broadcast_in_dim3A_3 {add = true} : memref<10000xf32, #tpu.memory_space<vmem>>[vector<16xi32>], vector<16xf32>,
      %get3A_291 = arith.constant 208 : index
      %get3A_292 = tpu.vector_load %arg12[%get3A_291] {strides = array<i32>} : memref<400xi32, #tpu.memory_space<vmem>>, vector<16xi32>,
      tpu.vector_store_idx %arg16[%get3A_292], %broadcast_in_dim3A_3 {add = true} : memref<10000xf32, #tpu.memory_space<vmem>>[vector<16xi32>], vector<16xf32>,
      %get3A_293 = arith.constant 224 : index
      %get3A_294 = tpu.vector_load %arg12[%get3A_293] {strides = array<i32>} : memref<400xi32, #tpu.memory_space<vmem>>, vector<16xi32>,
      tpu.vector_store_idx %arg16[%get3A_294], %broadcast_in_dim3A_3 {add = true} : memref<10000xf32, #tpu.memory_space<vmem>>[vector<16xi32>], vector<16xf32>,
      %get3A_295 = arith.constant 240 : index
      %get3A_296 = tpu.vector_load %arg12[%get3A_295] {strides = array<i32>} : memref<400xi32, #tpu.memory_space<vmem>>, vector<16xi32>,
      tpu.vector_store_idx %arg16[%get3A_296], %broadcast_in_dim3A_3 {add = true} : memref<10000xf32, #tpu.memory_space<vmem>>[vector<16xi32>], vector<16xf32>,
      %get3A_297 = arith.constant 256 : index
      %get3A_298 = tpu.vector_load %arg12[%get3A_297] {strides = array<i32>} : memref<400xi32, #tpu.memory_space<vmem>>, vector<16xi32>,
      tpu.vector_store_idx %arg16[%get3A_298], %broadcast_in_dim3A_3 {add = true} : memref<10000xf32, #tpu.memory_space<vmem>>[vector<16xi32>], vector<16xf32>,
      %get3A_299 = arith.constant 272 : index
      %get3A_300 = tpu.vector_load %arg12[%get3A_299] {strides = array<i32>} : memref<400xi32, #tpu.memory_space<vmem>>, vector<16xi32>,
      tpu.vector_store_idx %arg16[%get3A_300], %broadcast_in_dim3A_3 {add = true} : memref<10000xf32, #tpu.memory_space<vmem>>[vector<16xi32>], vector<16xf32>,
      %get3A_301 = arith.constant 288 : index
      %get3A_302 = tpu.vector_load %arg12[%get3A_301] {strides = array<i32>} : memref<400xi32, #tpu.memory_space<vmem>>, vector<16xi32>,
      tpu.vector_store_idx %arg16[%get3A_302], %broadcast_in_dim3A_3 {add = true} : memref<10000xf32, #tpu.memory_space<vmem>>[vector<16xi32>], vector<16xf32>,
      %get3A_303 = arith.constant 304 : index
      %get3A_304 = tpu.vector_load %arg12[%get3A_303] {strides = array<i32>} : memref<400xi32, #tpu.memory_space<vmem>>, vector<16xi32>,
      tpu.vector_store_idx %arg16[%get3A_304], %broadcast_in_dim3A_3 {add = true} : memref<10000xf32, #tpu.memory_space<vmem>>[vector<16xi32>], vector<16xf32>,
      %get3A_305 = arith.constant 320 : index
      %get3A_306 = tpu.vector_load %arg12[%get3A_305] {strides = array<i32>} : memref<400xi32, #tpu.memory_space<vmem>>, vector<16xi32>,
      tpu.vector_store_idx %arg16[%get3A_306], %broadcast_in_dim3A_3 {add = true} : memref<10000xf32, #tpu.memory_space<vmem>>[vector<16xi32>], vector<16xf32>,
      %get3A_307 = arith.constant 336 : index
      %get3A_308 = tpu.vector_load %arg12[%get3A_307] {strides = array<i32>} : memref<400xi32, #tpu.memory_space<vmem>>, vector<16xi32>,
      tpu.vector_store_idx %arg16[%get3A_308], %broadcast_in_dim3A_3 {add = true} : memref<10000xf32, #tpu.memory_space<vmem>>[vector<16xi32>], vector<16xf32>,
      %get3A_309 = arith.constant 352 : index
      %get3A_310 = tpu.vector_load %arg12[%get3A_309] {strides = array<i32>} : memref<400xi32, #tpu.memory_space<vmem>>, vector<16xi32>,
      tpu.vector_store_idx %arg16[%get3A_310], %broadcast_in_dim3A_3 {add = true} : memref<10000xf32, #tpu.memory_space<vmem>>[vector<16xi32>], vector<16xf32>,
      %get3A_311 = arith.constant 368 : index
      %get3A_312 = tpu.vector_load %arg12[%get3A_311] {strides = array<i32>} : memref<400xi32, #tpu.memory_space<vmem>>, vector<16xi32>,
      tpu.vector_store_idx %arg16[%get3A_312], %broadcast_in_dim3A_3 {add = true} : memref<10000xf32, #tpu.memory_space<vmem>>[vector<16xi32>], vector<16xf32>,
      %get3A_313 = arith.constant 384 : index
      %get3A_314 = tpu.vector_load %arg12[%get3A_313] {strides = array<i32>} : memref<400xi32, #tpu.memory_space<vmem>>, vector<16xi32>,
      tpu.vector_store_idx %arg16[%get3A_314], %broadcast_in_dim3A_3 {add = true} : memref<10000xf32, #tpu.memory_space<vmem>>[vector<16xi32>], vector<16xf32>,
    }
    %scan3A_37 = arith.constant 8 : i32
    %dma_wait3A = arith.constant 0 : i32
    %dma_wait3A_38 = arith.constant 0 : i32
    %dma_wait3A_39 = tpu.memref_slice %arg4[%dma_wait3A, %dma_wait3A_38] : memref<10000x128xbf16, #tpu.memory_space<hbm>> -> memref<10000x128xbf16, #tpu.memory_space<hbm>>
    tpu.wait_indirect_dma semaphore(%arg18 : memref<!tpu.dma_semaphore, #tpu.memory_space<semaphore_mem>>) src(%dma_wait3A_39 : memref<10000x128xbf16, #tpu.memory_space<hbm>>) dst(%arg13 : memref<400x128xbf16, #tpu.memory_space<vmem>>)
    %dma_start3A_40 = arith.constant 0 : i32
    %dma_start3A_41 = arith.constant 0 : i32
    %dma_start3A_42 = tpu.memref_slice %arg17[%dma_start3A_40, %dma_start3A_41] : memref<10000x128xbf16, #tpu.memory_space<vmem_shared>> -> memref<10000x128xbf16, #tpu.memory_space<vmem_shared>>
    tpu.enqueue_indirect_dma source(%arg13 : memref<400x128xbf16, #tpu.memory_space<vmem>>) target(%dma_start3A_42 : memref<10000x128xbf16, #tpu.memory_space<vmem_shared>>) offsets(%arg10 : memref<400xi32, #tpu.memory_space<vmem>>) semaphore(%arg21 : memref<!tpu.dma_semaphore, #tpu.memory_space<semaphore_mem>>) {add = true}
    %get3A = arith.constant 0 : index
    %get3A_43 = tpu.vector_load %arg10[%get3A] {strides = array<i32>} : memref<400xi32, #tpu.memory_space<vmem>>, vector<16xi32>,
    tpu.vector_store_idx %arg16[%get3A_43], %broadcast_in_dim3A_3 {add = true} : memref<10000xf32, #tpu.memory_space<vmem>>[vector<16xi32>], vector<16xf32>,
    %get3A_44 = arith.constant 16 : index
    %get3A_45 = tpu.vector_load %arg10[%get3A_44] {strides = array<i32>} : memref<400xi32, #tpu.memory_space<vmem>>, vector<16xi32>,
    tpu.vector_store_idx %arg16[%get3A_45], %broadcast_in_dim3A_3 {add = true} : memref<10000xf32, #tpu.memory_space<vmem>>[vector<16xi32>], vector<16xf32>,
    %get3A_46 = arith.constant 32 : index
    %get3A_47 = tpu.vector_load %arg10[%get3A_46] {strides = array<i32>} : memref<400xi32, #tpu.memory_space<vmem>>, vector<16xi32>,
    tpu.vector_store_idx %arg16[%get3A_47], %broadcast_in_dim3A_3 {add = true} : memref<10000xf32, #tpu.memory_space<vmem>>[vector<16xi32>], vector<16xf32>,
    %get3A_48 = arith.constant 48 : index
    %get3A_49 = tpu.vector_load %arg10[%get3A_48] {strides = array<i32>} : memref<400xi32, #tpu.memory_space<vmem>>, vector<16xi32>,
    tpu.vector_store_idx %arg16[%get3A_49], %broadcast_in_dim3A_3 {add = true} : memref<10000xf32, #tpu.memory_space<vmem>>[vector<16xi32>], vector<16xf32>,
    %get3A_50 = arith.constant 64 : index
    %get3A_51 = tpu.vector_load %arg10[%get3A_50] {strides = array<i32>} : memref<400xi32, #tpu.memory_space<vmem>>, vector<16xi32>,
    tpu.vector_store_idx %arg16[%get3A_51], %broadcast_in_dim3A_3 {add = true} : memref<10000xf32, #tpu.memory_space<vmem>>[vector<16xi32>], vector<16xf32>,
    %get3A_52 = arith.constant 80 : index
    %get3A_53 = tpu.vector_load %arg10[%get3A_52] {strides = array<i32>} : memref<400xi32, #tpu.memory_space<vmem>>, vector<16xi32>,
    tpu.vector_store_idx %arg16[%get3A_53], %broadcast_in_dim3A_3 {add = true} : memref<10000xf32, #tpu.memory_space<vmem>>[vector<16xi32>], vector<16xf32>,
    %get3A_54 = arith.constant 96 : index
    %get3A_55 = tpu.vector_load %arg10[%get3A_54] {strides = array<i32>} : memref<400xi32, #tpu.memory_space<vmem>>, vector<16xi32>,
    tpu.vector_store_idx %arg16[%get3A_55], %broadcast_in_dim3A_3 {add = true} : memref<10000xf32, #tpu.memory_space<vmem>>[vector<16xi32>], vector<16xf32>,
    %get3A_56 = arith.constant 112 : index
    %get3A_57 = tpu.vector_load %arg10[%get3A_56] {strides = array<i32>} : memref<400xi32, #tpu.memory_space<vmem>>, vector<16xi32>,
    tpu.vector_store_idx %arg16[%get3A_57], %broadcast_in_dim3A_3 {add = true} : memref<10000xf32, #tpu.memory_space<vmem>>[vector<16xi32>], vector<16xf32>,
    %get3A_58 = arith.constant 128 : index
    %get3A_59 = tpu.vector_load %arg10[%get3A_58] {strides = array<i32>} : memref<400xi32, #tpu.memory_space<vmem>>, vector<16xi32>,
    tpu.vector_store_idx %arg16[%get3A_59], %broadcast_in_dim3A_3 {add = true} : memref<10000xf32, #tpu.memory_space<vmem>>[vector<16xi32>], vector<16xf32>,
    %get3A_60 = arith.constant 144 : index
    %get3A_61 = tpu.vector_load %arg10[%get3A_60] {strides = array<i32>} : memref<400xi32, #tpu.memory_space<vmem>>, vector<16xi32>,
    tpu.vector_store_idx %arg16[%get3A_61], %broadcast_in_dim3A_3 {add = true} : memref<10000xf32, #tpu.memory_space<vmem>>[vector<16xi32>], vector<16xf32>,
    %get3A_62 = arith.constant 160 : index
    %get3A_63 = tpu.vector_load %arg10[%get3A_62] {strides = array<i32>} : memref<400xi32, #tpu.memory_space<vmem>>, vector<16xi32>,
    tpu.vector_store_idx %arg16[%get3A_63], %broadcast_in_dim3A_3 {add = true} : memref<10000xf32, #tpu.memory_space<vmem>>[vector<16xi32>], vector<16xf32>,
    %get3A_64 = arith.constant 176 : index
    %get3A_65 = tpu.vector_load %arg10[%get3A_64] {strides = array<i32>} : memref<400xi32, #tpu.memory_space<vmem>>, vector<16xi32>,
    tpu.vector_store_idx %arg16[%get3A_65], %broadcast_in_dim3A_3 {add = true} : memref<10000xf32, #tpu.memory_space<vmem>>[vector<16xi32>], vector<16xf32>,
    %get3A_66 = arith.constant 192 : index
    %get3A_67 = tpu.vector_load %arg10[%get3A_66] {strides = array<i32>} : memref<400xi32, #tpu.memory_space<vmem>>, vector<16xi32>,
    tpu.vector_store_idx %arg16[%get3A_67], %broadcast_in_dim3A_3 {add = true} : memref<10000xf32, #tpu.memory_space<vmem>>[vector<16xi32>], vector<16xf32>,
    %get3A_68 = arith.constant 208 : index
    %get3A_69 = tpu.vector_load %arg10[%get3A_68] {strides = array<i32>} : memref<400xi32, #tpu.memory_space<vmem>>, vector<16xi32>,
    tpu.vector_store_idx %arg16[%get3A_69], %broadcast_in_dim3A_3 {add = true} : memref<10000xf32, #tpu.memory_space<vmem>>[vector<16xi32>], vector<16xf32>,
    %get3A_70 = arith.constant 224 : index
    %get3A_71 = tpu.vector_load %arg10[%get3A_70] {strides = array<i32>} : memref<400xi32, #tpu.memory_space<vmem>>, vector<16xi32>,
    tpu.vector_store_idx %arg16[%get3A_71], %broadcast_in_dim3A_3 {add = true} : memref<10000xf32, #tpu.memory_space<vmem>>[vector<16xi32>], vector<16xf32>,
    %get3A_72 = arith.constant 240 : index
    %get3A_73 = tpu.vector_load %arg10[%get3A_72] {strides = array<i32>} : memref<400xi32, #tpu.memory_space<vmem>>, vector<16xi32>,
    tpu.vector_store_idx %arg16[%get3A_73], %broadcast_in_dim3A_3 {add = true} : memref<10000xf32, #tpu.memory_space<vmem>>[vector<16xi32>], vector<16xf32>,
    %get3A_74 = arith.constant 256 : index
    %get3A_75 = tpu.vector_load %arg10[%get3A_74] {strides = array<i32>} : memref<400xi32, #tpu.memory_space<vmem>>, vector<16xi32>,
    tpu.vector_store_idx %arg16[%get3A_75], %broadcast_in_dim3A_3 {add = true} : memref<10000xf32, #tpu.memory_space<vmem>>[vector<16xi32>], vector<16xf32>,
    %get3A_76 = arith.constant 272 : index
    %get3A_77 = tpu.vector_load %arg10[%get3A_76] {strides = array<i32>} : memref<400xi32, #tpu.memory_space<vmem>>, vector<16xi32>,
    tpu.vector_store_idx %arg16[%get3A_77], %broadcast_in_dim3A_3 {add = true} : memref<10000xf32, #tpu.memory_space<vmem>>[vector<16xi32>], vector<16xf32>,
    %get3A_78 = arith.constant 288 : index
    %get3A_79 = tpu.vector_load %arg10[%get3A_78] {strides = array<i32>} : memref<400xi32, #tpu.memory_space<vmem>>, vector<16xi32>,
    tpu.vector_store_idx %arg16[%get3A_79], %broadcast_in_dim3A_3 {add = true} : memref<10000xf32, #tpu.memory_space<vmem>>[vector<16xi32>], vector<16xf32>,
    %get3A_80 = arith.constant 304 : index
    %get3A_81 = tpu.vector_load %arg10[%get3A_80] {strides = array<i32>} : memref<400xi32, #tpu.memory_space<vmem>>, vector<16xi32>,
    tpu.vector_store_idx %arg16[%get3A_81], %broadcast_in_dim3A_3 {add = true} : memref<10000xf32, #tpu.memory_space<vmem>>[vector<16xi32>], vector<16xf32>,
    %get3A_82 = arith.constant 320 : index
    %get3A_83 = tpu.vector_load %arg10[%get3A_82] {strides = array<i32>} : memref<400xi32, #tpu.memory_space<vmem>>, vector<16xi32>,
    tpu.vector_store_idx %arg16[%get3A_83], %broadcast_in_dim3A_3 {add = true} : memref<10000xf32, #tpu.memory_space<vmem>>[vector<16xi32>], vector<16xf32>,
    %get3A_84 = arith.constant 336 : index
    %get3A_85 = tpu.vector_load %arg10[%get3A_84] {strides = array<i32>} : memref<400xi32, #tpu.memory_space<vmem>>, vector<16xi32>,
    tpu.vector_store_idx %arg16[%get3A_85], %broadcast_in_dim3A_3 {add = true} : memref<10000xf32, #tpu.memory_space<vmem>>[vector<16xi32>], vector<16xf32>,
    %get3A_86 = arith.constant 352 : index
    %get3A_87 = tpu.vector_load %arg10[%get3A_86] {strides = array<i32>} : memref<400xi32, #tpu.memory_space<vmem>>, vector<16xi32>,
    tpu.vector_store_idx %arg16[%get3A_87], %broadcast_in_dim3A_3 {add = true} : memref<10000xf32, #tpu.memory_space<vmem>>[vector<16xi32>], vector<16xf32>,
    %get3A_88 = arith.constant 368 : index
    %get3A_89 = tpu.vector_load %arg10[%get3A_88] {strides = array<i32>} : memref<400xi32, #tpu.memory_space<vmem>>, vector<16xi32>,
    tpu.vector_store_idx %arg16[%get3A_89], %broadcast_in_dim3A_3 {add = true} : memref<10000xf32, #tpu.memory_space<vmem>>[vector<16xi32>], vector<16xf32>,
    %get3A_90 = arith.constant 384 : index
    %get3A_91 = tpu.vector_load %arg10[%get3A_90] {strides = array<i32>} : memref<400xi32, #tpu.memory_space<vmem>>, vector<16xi32>,
    tpu.vector_store_idx %arg16[%get3A_91], %broadcast_in_dim3A_3 {add = true} : memref<10000xf32, #tpu.memory_space<vmem>>[vector<16xi32>], vector<16xf32>,
    %dma_wait3A_92 = arith.constant 0 : i32
    %dma_wait3A_93 = arith.constant 0 : i32
    %dma_wait3A_94 = tpu.memref_slice %arg17[%dma_wait3A_92, %dma_wait3A_93] : memref<10000x128xbf16, #tpu.memory_space<vmem_shared>> -> memref<10000x128xbf16, #tpu.memory_space<vmem_shared>>
    tpu.wait_indirect_dma semaphore(%arg22 : memref<!tpu.dma_semaphore, #tpu.memory_space<semaphore_mem>>) src(%arg14 : memref<400x128xbf16, #tpu.memory_space<vmem>>) dst(%dma_wait3A_94 : memref<10000x128xbf16, #tpu.memory_space<vmem_shared>>)
    %dma_wait3A_95 = arith.constant 0 : i32
    %dma_wait3A_96 = arith.constant 0 : i32
    %dma_wait3A_97 = tpu.memref_slice %arg17[%dma_wait3A_95, %dma_wait3A_96] : memref<10000x128xbf16, #tpu.memory_space<vmem_shared>> -> memref<10000x128xbf16, #tpu.memory_space<vmem_shared>>
    tpu.wait_indirect_dma semaphore(%arg23 : memref<!tpu.dma_semaphore, #tpu.memory_space<semaphore_mem>>) src(%arg15 : memref<400x128xbf16, #tpu.memory_space<vmem>>) dst(%dma_wait3A_97 : memref<10000x128xbf16, #tpu.memory_space<vmem_shared>>)
    %dma_wait3A_98 = arith.constant 0 : i32
    %dma_wait3A_99 = arith.constant 0 : i32
    %dma_wait3A_100 = tpu.memref_slice %arg17[%dma_wait3A_98, %dma_wait3A_99] : memref<10000x128xbf16, #tpu.memory_space<vmem_shared>> -> memref<10000x128xbf16, #tpu.memory_space<vmem_shared>>
    tpu.wait_indirect_dma semaphore(%arg21 : memref<!tpu.dma_semaphore, #tpu.memory_space<semaphore_mem>>) src(%arg13 : memref<400x128xbf16, #tpu.memory_space<vmem>>) dst(%dma_wait3A_100 : memref<10000x128xbf16, #tpu.memory_space<vmem_shared>>)
    %mul3A_101 = arith.constant 16 : i32
    %mul3A_102 = arith.muli %arg0, %mul3A_101 : i32
    %add3A_103 = arith.addi %mul3A_102, %arg1 : i32
    "tpu.region"() ({
      %run_scoped3A = tpu.sem_alloc : memref<!tpu.dma_semaphore, #tpu.memory_space<semaphore_mem>>
      %dma_start3A_110 = arith.constant 0 : i32
      %dma_start3A_111 = tpu.memref_slice %arg6[%add3A_103, %dma_start3A_110] : memref<32x10000xf32, #tpu.memory_space<hbm>> -> memref<1x10000xf32, #tpu.memory_space<hbm>>
      %dma_start3A_112 = tpu.memref_squeeze %dma_start3A_111 : memref<1x10000xf32, #tpu.memory_space<hbm>> -> memref<10000xf32, #tpu.memory_space<hbm>>
      %dma_start3A_113 = arith.constant 0 : i32
      %dma_start3A_114 = tpu.memref_slice %arg6[%add3A_103, %dma_start3A_113] : memref<32x10000xf32, #tpu.memory_space<hbm>> -> memref<1x10000xf32, #tpu.memory_space<hbm>>
      %dma_start3A_115 = tpu.memref_squeeze %dma_start3A_114 : memref<1x10000xf32, #tpu.memory_space<hbm>> -> memref<10000xf32, #tpu.memory_space<hbm>>
      tpu.enqueue_dma source(%arg16 : memref<10000xf32, #tpu.memory_space<vmem>>) target(%dma_start3A_115 : memref<10000xf32, #tpu.memory_space<hbm>>) target_semaphore(%run_scoped3A : memref<!tpu.dma_semaphore, #tpu.memory_space<semaphore_mem>>)
      %dma_wait3A_116 = arith.constant 0 : i32
      %dma_wait3A_117 = tpu.memref_slice %arg6[%add3A_103, %dma_wait3A_116] : memref<32x10000xf32, #tpu.memory_space<hbm>> -> memref<1x10000xf32, #tpu.memory_space<hbm>>
      %dma_wait3A_118 = tpu.memref_squeeze %dma_wait3A_117 : memref<1x10000xf32, #tpu.memory_space<hbm>> -> memref<10000xf32, #tpu.memory_space<hbm>>
      %dma_wait3A_119 = arith.constant 0 : i32
      %dma_wait3A_120 = tpu.memref_slice %arg6[%add3A_103, %dma_wait3A_119] : memref<32x10000xf32, #tpu.memory_space<hbm>> -> memref<1x10000xf32, #tpu.memory_space<hbm>>
      %dma_wait3A_121 = tpu.memref_squeeze %dma_wait3A_120 : memref<1x10000xf32, #tpu.memory_space<hbm>> -> memref<10000xf32, #tpu.memory_space<hbm>>
      tpu.wait_dma2 semaphore(%run_scoped3A : memref<!tpu.dma_semaphore, #tpu.memory_space<semaphore_mem>>) src(%arg16 : memref<10000xf32, #tpu.memory_space<vmem>>) dst(%dma_wait3A_121 : memref<10000xf32, #tpu.memory_space<hbm>>)
      tpu.yield
    }) : () -> ()
    %barrier3A_104 = arith.constant 0 : index
    tpu.barrier barrier_id(%barrier3A_104)
    %lt3A_105 = arith.constant 10 : i32
    %lt3A_106 = arith.cmpi slt, %arg1, %lt3A_105 : i32
    %convert_element_type3A_107 = arith.extui %lt3A_106 : i1 to i32
    %cond3A_108 = arith.constant 0 : i32
    %cond3A_109 = arith.cmpi ne, %convert_element_type3A_107, %cond3A_108 : i32
    scf.if %cond3A_109 {
      "tpu.region"() ({
        %run_scoped3A = tpu.sem_alloc : memref<!tpu.dma_semaphore, #tpu.memory_space<semaphore_mem>>
        %dma_start3A_110 = arith.constant 0 : i32
        %dma_start3A_111 = tpu.memref_slice %arg5[%arg0, %mul3A_0, %dma_start3A_110] : memref<2x10000x128xbf16, #tpu.memory_space<hbm>> -> memref<1x1000x128xbf16, #tpu.memory_space<hbm>>
        %dma_start3A_112 = tpu.memref_squeeze %dma_start3A_111 : memref<1x1000x128xbf16, #tpu.memory_space<hbm>> -> memref<1000x128xbf16, #tpu.memory_space<hbm>>
        %dma_start3A_113 = arith.constant 0 : i32
        %dma_start3A_114 = tpu.memref_slice %arg17[%mul3A_0, %dma_start3A_113] : memref<10000x128xbf16, #tpu.memory_space<vmem_shared>> -> memref<1000x128xbf16, #tpu.memory_space<vmem_shared>>
        tpu.enqueue_dma source(%dma_start3A_114 : memref<1000x128xbf16, #tpu.memory_space<vmem_shared>>) target(%dma_start3A_112 : memref<1000x128xbf16, #tpu.memory_space<hbm>>) target_semaphore(%run_scoped3A : memref<!tpu.dma_semaphore, #tpu.memory_space<semaphore_mem>>)
        %dma_wait3A_115 = arith.constant 0 : i32
        %dma_wait3A_116 = tpu.memref_slice %arg5[%arg0, %mul3A_0, %dma_wait3A_115] : memref<2x10000x128xbf16, #tpu.memory_space<hbm>> -> memref<1x1000x128xbf16, #tpu.memory_space<hbm>>
        %dma_wait3A_117 = tpu.memref_squeeze %dma_wait3A_116 : memref<1x1000x128xbf16, #tpu.memory_space<hbm>> -> memref<1000x128xbf16, #tpu.memory_space<hbm>>
        %dma_wait3A_118 = arith.constant 0 : i32
        %dma_wait3A_119 = tpu.memref_slice %arg17[%mul3A_0, %dma_wait3A_118] : memref<10000x128xbf16, #tpu.memory_space<vmem_shared>> -> memref<1000x128xbf16, #tpu.memory_space<vmem_shared>>
        tpu.wait_dma2 semaphore(%run_scoped3A : memref<!tpu.dma_semaphore, #tpu.memory_space<semaphore_mem>>) src(%dma_wait3A_119 : memref<1000x128xbf16, #tpu.memory_space<vmem_shared>>) dst(%dma_wait3A_117 : memref<1000x128xbf16, #tpu.memory_space<hbm>>)
        tpu.yield
      }) : () -> ()
    } else {
    }
    return
  }
}

module attributes {stable_mosaic.version = 14 : i64} {
  func.func @_finish_body(%arg0: i32, %arg1: memref<1000x128xf32, #tpu.memory_space<vmem>>, %arg2: memref<1000x128xf32, #tpu.memory_space<vmem>>, %arg3: memref<2x1000x128xbf16, #tpu.memory_space<vmem>>, %arg4: memref<1000x32xf32, #tpu.memory_space<vmem>>, %arg5: memref<1x128xf32, #tpu.memory_space<vmem>>, %arg6: memref<2x128xf32, #tpu.memory_space<vmem>>, %arg7: memref<1000x128xf32, #tpu.memory_space<vmem>>, %arg8: memref<1000x128xf32, #tpu.memory_space<vmem>>) attributes {dimension_semantics = [#tpu.dimension_semantics<arbitrary>], iteration_bounds = array<i64: 10>, scalar_prefetch = 0 : i64, scratch_operands = 0 : i64, tpu.core_type = #tpu.core_type<tc>, window_params = [{transform_indices = @transform_0, window_bounds = array<i64: 1000, 128>}, {transform_indices = @transform_1, window_bounds = array<i64: 1000, 128>}, {transform_indices = @transform_2, window_bounds = array<i64: 2, 1000, 128>}, {transform_indices = @transform_3, window_bounds = array<i64: 1000, 32>}, {pipeline_mode = #tpu.pipeline_mode<synchronous>, transform_indices = @transform_4, window_bounds = array<i64: 1, 128>}, {pipeline_mode = #tpu.pipeline_mode<synchronous>, transform_indices = @transform_5, window_bounds = array<i64: 2, 128>}, {transform_indices = @transform_6, window_bounds = array<i64: 1000, 128>}, {transform_indices = @transform_7, window_bounds = array<i64: 1000, 128>}]} {
    %get3A = arith.constant 0 : index
    %get3A_0 = arith.constant 0 : index
    %get3A_1 = vector.load %arg1[%get3A, %get3A_0] : memref<1000x128xf32, #tpu.memory_space<vmem>>, vector<1000x128xf32>
    %get3A_2 = arith.constant 0 : index
    %get3A_3 = arith.constant 0 : index
    %get3A_4 = vector.load %arg2[%get3A_2, %get3A_3] : memref<1000x128xf32, #tpu.memory_space<vmem>>, vector<1000x128xf32>
    %get3A_5 = arith.constant 0 : index
    %get3A_6 = arith.constant 0 : index
    %get3A_7 = arith.constant 0 : index
    %get3A_8 = vector.load %arg3[%get3A_5, %get3A_6, %get3A_7] : memref<2x1000x128xbf16, #tpu.memory_space<vmem>>, vector<1x1000x128xbf16>
    %get3A_9 = vector.shape_cast %get3A_8 : vector<1x1000x128xbf16> to vector<1000x128xbf16>
    %convert_element_type3A = arith.extf %get3A_9 : vector<1000x128xbf16> to vector<1000x128xf32>
    %get3A_10 = arith.constant 1 : index
    %get3A_11 = arith.constant 0 : index
    %get3A_12 = arith.constant 0 : index
    %get3A_13 = vector.load %arg3[%get3A_10, %get3A_11, %get3A_12] : memref<2x1000x128xbf16, #tpu.memory_space<vmem>>, vector<1x1000x128xbf16>
    %get3A_14 = vector.shape_cast %get3A_13 : vector<1x1000x128xbf16> to vector<1000x128xbf16>
    %convert_element_type3A_15 = arith.extf %get3A_14 : vector<1000x128xbf16> to vector<1000x128xf32>
    %add3A = arith.addf %convert_element_type3A, %convert_element_type3A_15 : vector<1000x128xf32>
    %get3A_16 = arith.constant 0 : index
    %get3A_17 = arith.constant 0 : index
    %get3A_18 = vector.load %arg4[%get3A_16, %get3A_17] : memref<1000x32xf32, #tpu.memory_space<vmem>>, vector<1000x32xf32>
    %reduce_sum3A = arith.constant dense<0.000000e+00> : vector<1000xf32>
    %reduce_sum3A_19 = vector.multi_reduction <add>, %get3A_18, %reduce_sum3A [1] : vector<1000x32xf32> to vector<1000xf32>
    %broadcast_in_dim3A = vector.shape_cast %reduce_sum3A_19 : vector<1000xf32> to vector<1000x1xf32>
    %mul3A = vector.broadcast %broadcast_in_dim3A : vector<1000x1xf32> to vector<1000x128xf32>
    %mul3A_20 = arith.mulf %mul3A, %get3A_1 : vector<1000x128xf32>
    %sub3A = arith.subf %mul3A_20, %add3A : vector<1000x128xf32>
    %mul3A_21 = arith.constant 0.00999999977 : f32
    %mul3A_22 = vector.broadcast %mul3A_21 : f32 to vector<1000x128xf32>
    %mul3A_23 = arith.mulf %mul3A_22, %get3A_4 : vector<1000x128xf32>
    %add3A_24 = arith.addf %get3A_1, %mul3A_23 : vector<1000x128xf32>
    %mul3A_25 = arith.constant 5.000000e-05 : f32
    %mul3A_26 = vector.broadcast %mul3A_25 : f32 to vector<1000x128xf32>
    %mul3A_27 = arith.mulf %mul3A_26, %sub3A : vector<1000x128xf32>
    %add3A_28 = arith.addf %add3A_24, %mul3A_27 : vector<1000x128xf32>
    %mul3A_29 = arith.constant 0.00999999977 : f32
    %mul3A_30 = vector.broadcast %mul3A_29 : f32 to vector<1000x128xf32>
    %mul3A_31 = arith.mulf %mul3A_30, %sub3A : vector<1000x128xf32>
    %add3A_32 = arith.addf %get3A_4, %mul3A_31 : vector<1000x128xf32>
    %eq3A = arith.constant 0 : i32
    %eq3A_33 = arith.cmpi eq, %arg0, %eq3A : i32
    %convert_element_type3A_34 = arith.extui %eq3A_33 : i1 to i32
    %cond3A = arith.constant 0 : i32
    %cond3A_35 = arith.cmpi ne, %convert_element_type3A_34, %cond3A : i32
    scf.if %cond3A_35 {
      %get3A_40 = arith.constant 0 : index
      %get3A_41 = arith.constant 0 : index
      %get3A_42 = vector.load %arg5[%get3A_40, %get3A_41] : memref<1x128xf32, #tpu.memory_space<vmem>>, vector<1x128xf32>
      %sub3A_43 = vector.broadcast %get3A_42 : vector<1x128xf32> to vector<1000x128xf32>
      %sub3A_44 = arith.subf %sub3A_43, %add3A_28 : vector<1000x128xf32>
      %iota3A = tpu.iota {dimensions = array<i32: 0>} : vector<1000x128xi32>
      %eq3A_45 = arith.constant 0 : i32
      %eq3A_46 = vector.broadcast %eq3A_45 : i32 to vector<1000x128xi32>
      %eq3A_47 = arith.cmpi eq, %iota3A, %eq3A_46 : vector<1000x128xi32>
      %get3A_48 = arith.constant 0 : index
      %get3A_49 = arith.constant 0 : index
      %get3A_50 = vector.load %arg6[%get3A_48, %get3A_49] : memref<2x128xf32, #tpu.memory_space<vmem>>, vector<1x128xf32>
      %mul3A_51 = vector.broadcast %get3A_50 : vector<1x128xf32> to vector<1000x128xf32>
      %mul3A_52 = arith.mulf %mul3A_51, %sub3A_44 : vector<1000x128xf32>
      %add3A_53 = arith.addf %add3A_28, %mul3A_52 : vector<1000x128xf32>
      %select_n3A = arith.select %eq3A_47, %add3A_53, %add3A_28 : vector<1000x128xi1>, vector<1000x128xf32>
      %swap3A = arith.constant 0 : index
      %swap3A_54 = arith.constant 0 : index
      %swap3A_55 = vector.load %arg7[%swap3A, %swap3A_54] : memref<1000x128xf32, #tpu.memory_space<vmem>>, vector<1000x128xf32>
      tpu.vector_store %arg7[%swap3A, %swap3A_54], %select_n3A {strides = array<i32>} : memref<1000x128xf32, #tpu.memory_space<vmem>>, vector<1000x128xf32>,
      %get3A_56 = arith.constant 1 : index
      %get3A_57 = arith.constant 0 : index
      %get3A_58 = vector.load %arg6[%get3A_56, %get3A_57] : memref<2x128xf32, #tpu.memory_space<vmem>>, vector<1x128xf32>
      %mul3A_59 = vector.broadcast %get3A_58 : vector<1x128xf32> to vector<1000x128xf32>
      %mul3A_60 = arith.mulf %mul3A_59, %sub3A_44 : vector<1000x128xf32>
      %add3A_61 = arith.addf %add3A_32, %mul3A_60 : vector<1000x128xf32>
      %select_n3A_62 = arith.select %eq3A_47, %add3A_61, %add3A_32 : vector<1000x128xi1>, vector<1000x128xf32>
      %swap3A_63 = arith.constant 0 : index
      %swap3A_64 = arith.constant 0 : index
      %swap3A_65 = vector.load %arg8[%swap3A_63, %swap3A_64] : memref<1000x128xf32, #tpu.memory_space<vmem>>, vector<1000x128xf32>
      tpu.vector_store %arg8[%swap3A_63, %swap3A_64], %select_n3A_62 {strides = array<i32>} : memref<1000x128xf32, #tpu.memory_space<vmem>>, vector<1000x128xf32>,
    } else {
    }
    %ne3A = arith.constant 0 : i32
    %ne3A_36 = arith.cmpi ne, %arg0, %ne3A : i32
    %convert_element_type3A_37 = arith.extui %ne3A_36 : i1 to i32
    %cond3A_38 = arith.constant 0 : i32
    %cond3A_39 = arith.cmpi ne, %convert_element_type3A_37, %cond3A_38 : i32
    scf.if %cond3A_39 {
      %swap3A = arith.constant 0 : index
      %swap3A_40 = arith.constant 0 : index
      %swap3A_41 = vector.load %arg7[%swap3A, %swap3A_40] : memref<1000x128xf32, #tpu.memory_space<vmem>>, vector<1000x128xf32>
      tpu.vector_store %arg7[%swap3A, %swap3A_40], %add3A_28 {strides = array<i32>} : memref<1000x128xf32, #tpu.memory_space<vmem>>, vector<1000x128xf32>,
      %swap3A_42 = arith.constant 0 : index
      %swap3A_43 = arith.constant 0 : index
      %swap3A_44 = vector.load %arg8[%swap3A_42, %swap3A_43] : memref<1000x128xf32, #tpu.memory_space<vmem>>, vector<1000x128xf32>
      tpu.vector_store %arg8[%swap3A_42, %swap3A_43], %add3A_32 {strides = array<i32>} : memref<1000x128xf32, #tpu.memory_space<vmem>>, vector<1000x128xf32>,
    } else {
    }
    return
  }
  func.func @transform_0(%arg0: i32) -> (i32, i32) {
    %c0_i32 = arith.constant 0 : i32
    %c0_i32_0 = arith.constant 0 : i32
    return %arg0, %c0_i32 : i32, i32
  }
  func.func @transform_1(%arg0: i32) -> (i32, i32) {
    %c0_i32 = arith.constant 0 : i32
    %c0_i32_0 = arith.constant 0 : i32
    return %arg0, %c0_i32 : i32, i32
  }
  func.func @transform_2(%arg0: i32) -> (i32, i32, i32) {
    %c0_i32 = arith.constant 0 : i32
    %c0_i32_0 = arith.constant 0 : i32
    %c0_i32_1 = arith.constant 0 : i32
    return %c0_i32, %arg0, %c0_i32_0 : i32, i32, i32
  }
  func.func @transform_3(%arg0: i32) -> (i32, i32) {
    %c0_i32 = arith.constant 0 : i32
    %c0_i32_0 = arith.constant 0 : i32
    return %arg0, %c0_i32 : i32, i32
  }
  func.func @transform_4(%arg0: i32) -> (i32, i32) {
    %c0_i32 = arith.constant 0 : i32
    %c0_i32_0 = arith.constant 0 : i32
    %c0_i32_1 = arith.constant 0 : i32
    return %c0_i32, %c0_i32_0 : i32, i32
  }
  func.func @transform_5(%arg0: i32) -> (i32, i32) {
    %c0_i32 = arith.constant 0 : i32
    %c0_i32_0 = arith.constant 0 : i32
    %c0_i32_1 = arith.constant 0 : i32
    return %c0_i32, %c0_i32_0 : i32, i32
  }
  func.func @transform_6(%arg0: i32) -> (i32, i32) {
    %c0_i32 = arith.constant 0 : i32
    %c0_i32_0 = arith.constant 0 : i32
    return %arg0, %c0_i32 : i32, i32
  }
  func.func @transform_7(%arg0: i32) -> (i32, i32) {
    %c0_i32 = arith.constant 0 : i32
    %c0_i32_0 = arith.constant 0 : i32
    return %arg0, %c0_i32 : i32, i32
  }
}

</mosaic_0001>

<sc_bundles>
// kernel: kernel.4.cloned.1.call-start
scs
__scs_entry_jumppad:
0x0: {  	(pc) =	sbr.rel $0x88, $3  }
0x1: {  	(tag) =	ssettag $0x0;
	lr =	simm.s32 $0x1  }
0x2: {  	[smem:$0x3F9C] =	sst lr;
	_ =	strace $0xD0000000  }
0x3: {  	_ = 	snop  }
0x4: {  	_ = 	snop  }
0x5: {  	_ = 	snop  }
0x6: {  	_ = 	snop  }
0x7: {  	_ = 	snop  }
__scs_overlays_trampoline_lowered:
0x8: {  	[smem:$0x3FAB] =	sst s0  }
0x9: {  	[smem:$0x3FAC] =	sst s1  }
0xa: {  	[smem:$0x3FAD] =	sst s2  }
0xb: {  	[smem:$0x3FAE] =	sst s3  }
0xc: {  	[smem:$0x3FAF] =	sst s4  }
0xd: {  	[smem:$0x3FB0] =	sst s5  }
0xe: {  	[smem:$0x3FB1] =	sst s6  }
0xf: {  	[smem:$0x3FB2] =	sst s7  }
0x10: {  	[smem:$0x3FB3] =	sst s8  }
0x11: {  	[smem:$0x3FB4] =	sst s9;
	s0 =	simm.s32 @!p0 $0x0  }
0x12: {  	s1 =	sld [smem:$0x3F9A];
	s0 =	simm.s32 @p0 $0x1  }
0x13: {  	[smem:$0x3FB5] =	sst s0;
	s0 =	simm.s32 @!p1 $0x0  }
0x14: {  	s2 =	sld [smem:$0x3F99];
	s0 =	simm.s32 @p1 $0x1  }
0x15: {  	[smem:$0x3FB6] =	sst s0;
	s0 =	simm.s32 @!p2 $0x0  }
0x16: {  	s3 =	sld [smem:$0x3FDB];
	s0 =	simm.s32 @p2 $0x1  }
0x17: {  	s4 =	simm.s32 $0x1BF5;
	[smem:$0x3FB8] =	sst s0  }
0x18: {  	s0 =	sld [smem:$0x3F9B];
	_ =	swait.ge [sflag:s4], $0x0  }
0x19: {  	s7 =	sld [smem:$0x3F9C]  }
0x1a: {  	s8 =	sadd.s32 $0xFFFFE003, lr  }
0x1b: {  	s9 =	sadd.s32 $0xFFFFFEF7, lr;
	s5 =	simm.s32 $0xFFFFFFFF;
	p2 =	slt.u32 s8, $0xFFFFF086  }
0x1c: {  	p1 =	slt.u32 s9, $0xF7A;
	s5 =	simm.s32 @!p2 $0x0  }
0x1d: {  	s5 =	simm.s32 @p1 $0x1;
	p0 =	seq.s32 s7, s2  }
0x1e: {  	s7 =	smul.u32 @!p0 $0xF7A, s2;
	p2 =	seq.s32 @!p0 s5, $0x0  }
0x1f: {  	s9 =	smul.u32 $0xF7A, s1;
	s8 =	simm.s32 @!p0 $0x1BF5;
	p2 =	por !p2, p0  }
0x20: {  	[sflag:s8] =	ssyncset.s32 @!p0 $0xFFFFF086;
	s6 =	sadd.s32 @!p0 s3, s7;
	s7 =	simm.s32 @!p0 $0x108  }
0x21: {  	s3 =	sadd.s32 s3, s9;
	s6 =	sadd.s32 @!p0 $0x88, s6;
	s7 =	simm.s32 @p2 $0x1082  }
0x22: {  	[simem:s7], [sflag:s8] =	dma.local @!p0 [hbm:s6], $0xF7A  }
0x23: {  	s9 =	sor.u32 $0xD0000000, s2;
	s6 =	simm.s32 $0x108;
	_ =	swait.ge @!p0 [sflag:s8], $0x0  }
0x24: {  	s3 =	sadd.s32 $0x88, s3;
	s6 =	simm.s32 @!p1 $0x1082;
	[sflag:s4] =	ssyncset.s32 $0xFFFFF086  }
0x25: {  	[simem:s6], [sflag:s4] =	dma.local [hbm:s3], $0xF7A  }
0x26: {  	[smem:$0x3F9C] =	sst s1;
	(tag) =	ssettag s2;
	_ =	strace s9  }
0x27: {  	s1 =	sld [smem:$0x3FAC]  }
0x28: {  	s2 =	sld [smem:$0x3FAD]  }
0x29: {  	s4 =	sld [smem:$0x3FAF]  }
0x2a: {  	p0 =	seq.s32 s5, $0x0;
	s5 =	sld [smem:$0x3FB0]  }
0x2b: {  	s6 =	sld [smem:$0x3FB1]  }
0x2c: {  	s7 =	sld [smem:$0x3FB2]  }
0x2d: {  	s3 =	simm.s32 $0x108;
	s8 =	sld [smem:$0x3FB3]  }
0x2e: {  	s3 =	simm.s32 @!p0 $0x1082;
	s9 =	sld [smem:$0x3FB4]  }
0x2f: {  	lr =	sadd.s32 s0, s3;
	s0 =	sld [smem:$0x3FAB]  }
0x30: {  	s3 =	sld [smem:$0x3FAE]  }
0x31: {  	[smem:$0x3FB7] =	sst s10  }
0x32: {  	s10 =	sld [smem:$0x3FB5];
	_ =	sdelay $0x3  }
0x33: {  	p0 =	seq.s32 s10, $0x1;
	s10 =	sld [smem:$0x3FB7];
	_ =	sdelay $0x3  }
0x34: {  	[smem:$0x3FB7] =	sst s10  }
0x35: {  	s10 =	sld [smem:$0x3FB6];
	_ =	sdelay $0x3  }
0x36: {  	p1 =	seq.s32 s10, $0x1;
	s10 =	sld [smem:$0x3FB7];
	_ =	sdelay $0x3  }
0x37: {  	[smem:$0x3FB7] =	sst s10  }
0x38: {  	s10 =	sld [smem:$0x3FB8]  }
0x39: {  	_ = 	snop;
	(pc) =	sbr.ind lr, $3  }
0x3a: {  	_ = 	snop  }
0x3b: {  	_ = 	snop  }
0x3c: {  	p2 =	seq.s32 s10, $0x1;
	s10 =	sld [smem:$0x3FB7]  }
0x3d: {  	_ =	shalt  }
0x3e: {  	_ =	shalt  }
0x3f: {  	_ =	shalt  }
0x40: {  	_ =	shalt  }
0x41: {  	_ =	shalt  }
0x42: {  	_ =	shalt  }
0x43: {  	_ =	shalt  }
0x44: {  	_ =	shalt  }
0x45: {  	_ =	shalt  }
0x46: {  	_ =	shalt  }
0x47: {  	_ =	shalt  }
0x48: {  	_ =	shalt  }
0x49: {  	_ =	shalt  }
0x4a: {  	_ =	shalt  }
0x4b: {  	_ =	shalt  }
0x4c: {  	_ =	shalt  }
0x4d: {  	_ =	shalt  }
0x4e: {  	_ =	shalt  }
0x4f: {  	_ =	shalt  }
0x50: {  	_ =	shalt  }
0x51: {  	_ =	shalt  }
0x52: {  	_ =	shalt  }
0x53: {  	_ =	shalt  }
0x54: {  	_ =	shalt  }
0x55: {  	_ =	shalt  }
0x56: {  	_ =	shalt  }
0x57: {  	_ =	shalt  }
0x58: {  	_ =	shalt  }
0x59: {  	_ =	shalt  }
0x5a: {  	_ =	shalt  }
0x5b: {  	_ =	shalt  }
0x5c: {  	_ =	shalt  }
0x5d: {  	_ =	shalt  }
0x5e: {  	_ =	shalt  }
0x5f: {  	_ =	shalt  }
0x60: {  	_ =	shalt  }
0x61: {  	_ =	shalt  }
0x62: {  	_ =	shalt  }
0x63: {  	_ =	shalt  }
0x64: {  	_ =	shalt  }
0x65: {  	_ =	shalt  }
0x66: {  	_ =	shalt  }
0x67: {  	_ =	shalt  }
0x68: {  	_ =	shalt  }
0x69: {  	_ =	shalt  }
0x6a: {  	_ =	shalt  }
0x6b: {  	_ =	shalt  }
0x6c: {  	_ =	shalt  }
0x6d: {  	_ =	shalt  }
0x6e: {  	_ =	shalt  }
0x6f: {  	_ =	shalt  }
0x70: {  	_ =	shalt  }
0x71: {  	_ =	shalt  }
0x72: {  	_ =	shalt  }
0x73: {  	_ =	shalt  }
0x74: {  	_ =	shalt  }
0x75: {  	_ =	shalt  }
0x76: {  	_ =	shalt  }
0x77: {  	_ =	shalt  }
0x78: {  	_ =	shalt  }
0x79: {  	_ =	shalt  }
0x7a: {  	_ =	shalt  }
0x7b: {  	_ =	shalt  }
0x7c: {  	_ =	shalt  }
0x7d: {  	_ =	shalt  }
0x7e: {  	_ =	shalt  }
0x7f: {  	_ =	shalt  }
0x80: {  	_ =	shalt  }
0x81: {  	_ =	shalt  }
0x82: {  	_ =	shalt  }
0x83: {  	_ =	shalt  }
0x84: {  	_ =	shalt  }
0x85: {  	_ =	shalt  }
0x86: {  	_ =	shalt  }
0x87: {  	_ =	shalt  }
.Lfunc_end0:
.L_simem_size_0:
called_computation_lowered:
.L_overlay_start_0:
0x88: {  	s2 =	sld [smem:$0x3FD9]  }
0x89: {  	s3 =	sld [smem:$0x3FFE];
	_ =	sdelay $0x1  }
0x8a: {  	s1 =	srdreg.scid  }
0x8b: {  	s0 =	sand.u32 $0x1, s1  }
0x8c: {  	s14 =	sshll.u32 s0, $0xA;
	s2 =	sadd.s32 s3, s2  }
0x8d: {  	s2 =	sadd.s32 s2, s14  }
0x8e: {  	[smem:$0x3FC3] =	sst s2  }
0x8f: {  	_ = 	snop  }
0x90: {  	s2 =	sld [smem:$0x3FD0];
	_ =	sdelay $0x2  }
0x91: {  	s15 =	simm.s32 $0xA;
	s4 =	simm.s32 $0x10  }
0x92: {  	[smem:s4], [sflag:s15] =	dma.local [hbm:s2], $0x1  }
0x93: {  	_ =	swait.eq [sflag:s15], $0x1  }
0x94: {  	[sflag:s15] =	ssyncset.done $0x0  }
0x95: {  	s16 =	sld [smem:$0x10];
	[sflag:s15] =	ssyncadd.s32 $0xFFFFFFFF  }
0x96: {  	s17 =	sld [smem:$0x11];
	(tm) =	ssettm $0x1  }
0x97: {  	s18 =	sld [smem:$0x3FFB];
	_ =	sdelay $0x3  }
0x98: {  	_ =	strace s18  }
0x99: {  	s4 =	sld [smem:$0x3FFC];
	_ =	sdelay $0x3  }
0x9a: {  	_ =	strace s4  }
0x9b: {  	s4 =	sld [smem:$0x3FFD];
	_ =	sdelay $0x3  }
0x9c: {  	_ =	strace s4  }
0x9d: {  	_ =	strace $0x8FFFFFFF  }
0x9e: {  	s19 =	sld [smem:$0x3FDB];
	_ =	sdelay $0x1  }
0x9f: {  	s5 =	simm.s32 $_scs_section_size  }
0xa0: {  	s6 =	simm.s32 $_size__tile_overlayer_lowered;
	s7 =	simm.s32 $_tile_overlayer_lowered  }
0xa1: {  	s22 =	simm.s32 $0x1BFF;
	s21 =	sshll.u32 s7, $0x1;
	s4 =	sadd.s32 s5, s19  }
0xa2: {  	s8 =	simm.s32 $0x0;
	s20 =	sshll.u32 s6, $0x1;
	s6 =	sadd.s32 s21, s4  }
0xa3: {  	[timem:s8], [sflag:s22] =	dma.local [hbm:s6], s20  }
0xa4: {  	_ =	swait.ge [sflag:s22], s20  }
0xa5: {  	s5 =	ssub.s32 $0x0, s20;
	[sflag:s22] =	ssyncset.done $0x0  }
0xa6: {  	[sflag:s22] =	ssyncadd.s32 s5;
	_ =	sdelay $0x1  }
0xa7: {  	s23 =	simm.s32 $0x1B8B  }
0xa8: {  	_ =	swait.ge [sflag:s23], $0x1  }
0xa9: {  	[sflag:s23] =	ssyncset.done $0x0  }
0xaa: {  	s25 =	simm.s32 $0x1B8E;
	s24 =	sld [smem:$0x3FFE];
	[sflag:s23] =	ssyncadd.s32 $0xFFFFFFFF  }
0xab: {  	s26 =	simm.s32 $execute0_lowered;
	[smem:$0x3FD2] =	sst s25  }
0xac: {  	s6 =	sshll.u32 s26, $0x1;
	_ =	strace $0x80000046;
	[dreg:$0x1] =	wrdreg $0xFFFFFFFF  }
0xad: {  	s28 =	simm.s32 $_size_execute0_lowered;
	s4 =	sadd.s32 s4, s6;
	[dreg:$0x0] =	wrdreg $0x0  }
0xae: {  	s6 =	sshll.u32 s28, $0x1;
	[dreg:$0x2] =	wrdreg s4  }
0xaf: {  	[dreg:$0x3] =	wrdreg s6  }
0xb0: {  	[dreg:$0x4] =	wrdreg $0xC0  }
0xb1: {  	_ =	task [dreg:s8], $0x5FFFF  }
0xb2: {  	[dreg:$0x1] =	wrdreg $0xFFFFFFFF  }
0xb3: {  	[dreg:$0x0] =	wrdreg $0x60  }
0xb4: {  	[dreg:$0x2] =	wrdreg s24  }
0xb5: {  	[dreg:$0x3] =	wrdreg s16  }
0xb6: {  	[dreg:$0x4] =	wrdreg s17  }
0xb7: {  	[dreg:$0x5] =	wrdreg $0x15C700  }
0xb8: {  	[dreg:$0x6] =	wrdreg $0x9  }
0xb9: {  	_ =	task.clear_ibuf [dreg:s8], $0x7FFFF;
	_ =	strace $0x90000046  }
0xba: {  	s29 =	simm.s32 $0x9;
	_ =	strace $0x80000048  }
0xbb: {  	_ =	swait.ge [sflag:s29], $0x1  }
0xbc: {  	[sflag:s29] =	ssyncadd.s32 $0xFFFFFFFF  }
0xbd: {  	_ =	strace $0x90000048  }
0xbe: {  	_ =	sfence  }
0xbf: {  	s30 =	sld [smem:$0x0];
	_ =	sdelay $0x2  }
0xc0: {  	s31 =	sshll.u32 s1, $0xD;
	s1 =	sshrl.u32 s1, $0x2  }
0xc1: {  	s3 =	sand.u32 $0x4000, s31;
	s1 =	sadd.s32 s1, s30  }
0xc2: {  	s0 =	sor.u32 s3, s0;
	s1 =	sshll.u32 s1, $0x11  }
0xc3: {  	s0 =	sor.u32 s1, s0  }
0xc4: {  	s0 =	sadd.s32 $0x8F2B, s0  }
0xc5: {  	[sflag:s0] =	ssyncadd.remote.s32 $0x1  }
0xc6: {  	_ =	sfence.sel $0xFFFF  }
0xc7: {  	[dreg:$0x0] =	wrdreg $0xFFFFFFFF;
	(pc) =	sbr.abs _section_cstart, $3  }
0xc8: {  	[dreg:$0x1] =	wrdreg $0xFFFFFFFF  }
0xc9: {  	_ =	task.clear_ibuf [dreg:s8], $0x2FFFF;
	_ =	strace $0x9FFFFFFF  }
0xca: {  	(tm) =	ssettm $0x7FFFFFFF  }
0xcb: {  	_ =	shalt  }
tec
execute0_lowered:
.L_overlay_start_1:
0x0: {  	(tag) =	ssettag $0x1  }
0x1: {  	s1 =	rddreg [dreg:$0x0]  }
0x2: {  	s0 =	rddreg [dreg:$0x1]  }
0x3: {  	s2 =	srdreg.scid;
	s8 =	rddreg [dreg:$0x2]  }
0x4: {  	s3 =	rddreg [dreg:$0x3];
	s13 =	stileid.u32  }
0x5: {  	s4 =	simm.s32 $0x0;
	s28 =	simm.s32 $0x7D0;
	s29 =	simm.s32 $0xD160  }
0x6: {  	s30 =	simm.s32 $0x13560;
	s31 =	simm.s32 $0x2;
	s21 =	smul.u32 $0x3E800, s13  }
0x7: {  	s2 =	sand.u32 $0x1, s2;
	[smem:$0x7FF] =	sst s4;
	s16 =	smul.u32 $0x1F400, s13  }
0x8: {  	s6 =	sadd.s32 $0x1A00, s1;
	s23 =	smul.u32 $0x2710, s13;
	p0 =	sgt.u32 s13, $0x9  }
0x9: {  	s5 =	sshll.u32 s2, $0x4;
	_ =	strace $0x80000047;
	s11 =	smul.u32 $0x138800, s2  }
0xa: {  	s10 =	ssub.s32 $0x2, s2;
	s2 =	smul.u32 $0x27100, s2;
	s5 =	sor.u32 s13, s5  }
0xb: {  	s12 =	sshrl.u32 s10, $0x1;
	s20 =	sshrl.u32 s16, $0x1;
	s7 =	smul.u32 $0x2710, s5  }
0xc: {  	s5 =	sadd.s32 $0xB800, s1;
	s11 =	sadd.s32 s16, s11;
	s2 =	sadd.s32 s23, s2  }
0xd: {  	s10 =	ssub.s32 s10, s12;
	s15 =	sshrl.u32 s11, $0x4;
	s17 =	sadd.s32 $0x640, s2  }
0xe: {  	s9 =	sshrl.u32 s7, $0x3;
	s7 =	sshrl.u32 s21, $0x2;
	s18 =	sadd.s32 s8, s15  }
0xf: {  	s12 =	sadd.s32 $0x4B0, s2;
	s7 =	sadd.s32 s7, s3;
	[dreg:$0x11] =	wrdreg s18  }
0x10: {  	s19 =	sshrl.u32 s17, $0x3;
	s24 =	sadd.s32 s5, s9;
	[dreg:$0x9] =	wrdreg s7  }
0x11: {  	s8 =	sadd.s32 s20, s3;
	s25 =	sadd.s32 s6, s9;
	[dreg:$0xc] =	wrdreg s24  }
0x12: {  	s20 =	simm.s32 $0x190;
	s21 =	sadd.s32 s19, s6;
	[dreg:$0xd] =	wrdreg s25  }
0x13: {  	s1 =	sadd.s32 s9, s1;
	s22 =	sadd.s32 $0x6400, s7;
	[dreg:$0x5] =	wrdreg s21  }
0x14: {  	s9 =	sadd.s32 $0x32, s9;
	s7 =	sadd.s32 $0xC800, s7;
	[dreg:$0xa] =	wrdreg s22  }
0x15: {  	s18 =	simm.s32 $0x7;
	s26 =	sadd.s32 s5, s9;
	[dreg:$0xb] =	wrdreg s7  }
0x16: {  	s14 =	sadd.s32 s6, s9;
	s1 =	sadd.s32 $0x15600, s1;
	[dreg:$0xe] =	wrdreg s26  }
0x17: {  	s25 =	smax.u32 s10, $0x1;
	s21 =	simm.s32 $0x960;
	[dreg:$0xf] =	wrdreg s14  }
0x18: {  	s9 =	simm.s32 $0x6;
	s10 =	simm.s32 $0x0;
	[dreg:$0x10] =	wrdreg s1  }
0x19: {  	s22 =	sadd.s32 $0x320, s2;
	s1 =	sadd.s32 s19, s5;
	[dreg:$0x12] =	wrdreg s25  }
0x1a: {  	s19 =	simm.s32 $0x4B0;
	s25 =	sshrl.u32 @!p0 s8, $0x3;
	s2 =	simm.s32 $0x3  }
0x1b: {  	s8 =	simm.s32 $0x5;
	s23 =	sshrl.u32 s22, $0x3;
	[dreg:$0x6] =	wrdreg s1  }
0x1c: {  	s22 =	simm.s32 $0x640;
	s1 =	simm.s32 $0x4;
	s24 =	sadd.s32 s23, s6  }
0x1d: {  	s26 =	sadd.s32 s23, s5;
	s23 =	simm.s32 $0x6D60;
	[dreg:$0x7] =	wrdreg s24  }
0x1e: {  	v0 =	vimm.bf16 $0.0e+00;
	v1 =	vimm.f32 $0.0e+00;
	v2 =	vimm.f32 $1.000000000e+00;
	[dreg:$0x8] =	wrdreg s26;
	s24 =	simm.s32 $0x1;
	s26 =	simm.s32 $0x320  }
.LBB2_1:
0x1f: {  	s11 =	simm.s32 $0x0  }
.LBB2_2:
0x20: {  	p1 =	sne.s32 s11, $0x18F00  }
.Ltmp0:
0x21: {  	s17 =	sshra.s32 s11, $0x2;
	(pc) =	sbr.rel @p1 .LBB2_2-.Ltmp0, $4  }
0x22: {  	[tilespmem:s17+$0x960] =	vst v0  }
0x23: {  	[tilespmem:s17+$0x970] =	vst v0  }
0x24: {  	[tilespmem:s17+$0x980] =	vst v0  }
0x25: {  	s11 =	sadd.s32 $0x100, s11;
	[tilespmem:s17+$0x990] =	vst v0  }
0x26: {  	s11 =	simm.s32 $0x40;
	s17 =	simm.s32 $0x0  }
.LBB2_4:
0x27: {  	p1 =	sne.s32 s11, $0x9C00;
	[tilespmem:s17+$0x13560] =	vst v1;
	s17 =	smov.u32 s11;
	s11 =	sadd.s32 $0x40, s11  }
.Ltmp1:
0x28: {  	(pc) =	sbr.rel @p1 .LBB2_4-.Ltmp1, $2  }
0x29: {  	_ =	sdelay $0x2  }
0x2a: {  	s17 =	sshra.s32 s17, $0x2  }
0x2b: {  	[tilespmem:s17+$0x13560] =	vst v1;
	s11 =	simm.s32 @!p0 $0x960;
	s7 =	rddreg [dreg:$0x9];
	s17 =	simm.s32 @!p0 $0x7  }
0x2c: {  	[spmem:s7] =	stream.linear.scatter @!p0 [tilespmem:s11], [sflag:$0x7], $0x6400, $0x38;
	[tilespmem:$0x1F8B0] =	vst v63  }
0x2d: {  	_ =	swait.ge @!p0 [sflag:s17], $0x6400  }
0x2e: {  	[sflag:s17] =	ssyncset.done @!p0 $0x0  }
0x2f: {  	s7 =	rddreg [dreg:$0xa];
	[sflag:s17] =	ssyncadd.s32 @!p0 $0xFFFF9C00  }
0x30: {  	[spmem:s7] =	stream.linear.scatter @!p0 [tilespmem:s11], [sflag:$0x7], $0x6400, $0x38;
	[tilespmem:$0x1F8B0] =	vst v63  }
0x31: {  	_ =	swait.ge @!p0 [sflag:s17], $0x6400  }
0x32: {  	[sflag:s17] =	ssyncset.done @!p0 $0x0  }
0x33: {  	s7 =	rddreg [dreg:$0xb];
	[sflag:s17] =	ssyncadd.s32 @!p0 $0xFFFF9C00  }
0x34: {  	[spmem:s7] =	stream.linear.scatter @!p0 [tilespmem:s11], [sflag:$0x7], $0x3200, $0x38;
	[tilespmem:$0x1F8B0] =	vst v63  }
0x35: {  	_ =	swait.ge @!p0 [sflag:s17], $0x3200  }
0x36: {  	[sflag:s17] =	ssyncset.done @!p0 $0x0  }
0x37: {  	[sflag:s17] =	ssyncadd.s32 @!p0 $0xFFFFCE00  }
0x38: {  	[bflag:$0x0] =	sbarrier.arrive $0xFFFF  }
0x39: {  	s11 =	simm.s32 $0x0;
	s14 =	rddreg [dreg:$0xc]  }
0x3a: {  	[tilespmem:s11], [sflag:$0x7] =	stream.linear.gather [hbm4b:s14+s11], $0x190, $0x38;
	[tilespmem:$0x1F8B0] =	vst v63  }
0x3b: {  	_ =	swait.ge [sflag:s18], $0x190  }
0x3c: {  	[sflag:s18] =	ssyncset.done $0x0  }
0x3d: {  	s15 =	rddreg [dreg:$0xd];
	[sflag:s18] =	ssyncadd.s32 $0xFFFFFE70  }
0x3e: {  	[tilespmem:s19], [sflag:$0x7] =	stream.linear.gather [hbm4b:s15+s11], $0x190, $0x38;
	[tilespmem:$0x1F8B0] =	vst v63  }
0x3f: {  	_ =	swait.ge [sflag:s18], $0x190  }
0x40: {  	[sflag:s18] =	ssyncset.done $0x0  }
0x41: {  	[sflag:s18] =	ssyncadd.s32 $0xFFFFFE70  }
0x42: {  	[tilespmem:s21], [sflag:$0x1] =	stream.indirect.gather [hbm4b:s0+s20], $0x40, s11, s20, $0xb8;
	[tilespmem:$0x1F8B0] =	vst v63  }
0x43: {  	s16 =	rddreg [dreg:$0xe]  }
0x44: {  	[tilespmem:s20], [sflag:$0x7] =	stream.linear.gather [hbm4b:s16+s11], $0x190, $0x38;
	[tilespmem:$0x1F8B0] =	vst v63  }
0x45: {  	_ =	swait.ge [sflag:s18], $0x190  }
0x46: {  	[sflag:s18] =	ssyncset.done $0x0  }
0x47: {  	s17 =	rddreg [dreg:$0xf];
	[sflag:s18] =	ssyncadd.s32 $0xFFFFFE70  }
0x48: {  	[tilespmem:s22], [sflag:$0x7] =	stream.linear.gather [hbm4b:s17+s11], $0x190, $0x38;
	[tilespmem:$0x1F8B0] =	vst v63  }
0x49: {  	_ =	swait.ge [sflag:s18], $0x190  }
0x4a: {  	[sflag:s18] =	ssyncset.done $0x0  }
0x4b: {  	s17 =	smov.u32 s12;
	[sflag:s18] =	ssyncadd.s32 $0xFFFFFE70  }
0x4c: {  	[tilespmem:s23], [sflag:$0x2] =	stream.indirect.gather [hbm4b:s0+s20], $0x40, s20, s20, $0xb8;
	[tilespmem:$0x1F8B0] =	vst v63  }
.LBB2_6:
0x4d: {  	_ =	swait.ge [sflag:s24], $0x6400  }
0x4e: {  	p1 =	seq.s32 s11, $0x0;
	[sflag:s24] =	ssyncset.done $0x0  }
0x4f: {  	s13 =	simm.s32 @!p1 $0x6;
	[sflag:s24] =	ssyncadd.s32 $0xFFFF9C00  }
0x50: {  	[spmem:s3] =	stream.indirect.scatter.add.bf16 [tilespmem:s21], [sflag:$0x4], $0x40, s19, s20, $0xb8;
	[tilespmem:$0x1F8B0] =	vst v63  }
0x51: {  	_ =	swait.ge @!p1 [sflag:s13], $0x6400  }
0x52: {  	s14 =	rddreg [dreg:$0x8];
	[sflag:s13] =	ssyncset.done @!p1 $0x0  }
0x53: {  	[sflag:s13] =	ssyncadd.s32 @!p1 $0xFFFF9C00;
	s7 =	sadd.s32 s11, s14  }
0x54: {  	[tilespmem:s26], [sflag:$0x7] =	stream.linear.gather [hbm4b:s7+s4], $0x190, $0x38;
	[tilespmem:$0x1F8B0] =	vst v63  }
0x55: {  	_ =	swait.ge [sflag:s18], $0x190  }
0x56: {  	s14 =	rddreg [dreg:$0x7];
	[sflag:s18] =	ssyncset.done $0x0  }
0x57: {  	[sflag:s18] =	ssyncadd.s32 $0xFFFFFE70;
	s13 =	sadd.s32 s11, s14  }
0x58: {  	[tilespmem:s28], [sflag:$0x7] =	stream.linear.gather [hbm4b:s13+s4], $0x190, $0x38;
	[tilespmem:$0x1F8B0] =	vst v63  }
0x59: {  	_ =	swait.ge [sflag:s18], $0x190  }
0x5a: {  	[sflag:s18] =	ssyncset.done $0x0  }
0x5b: {  	[sflag:s18] =	ssyncadd.s32 $0xFFFFFE70  }
0x5c: {  	[tilespmem:s29], [sflag:$0x3] =	stream.indirect.gather [hbm4b:s0+s20], $0x40, s26, s20, $0xb8;
	[tilespmem:$0x1F8B0] =	vst v63  }
0x5d: {  	v3 =	vld [tilespmem:$0x4B0];
	_ =	sdelay $0x7  }
0x5e: {  	[tilespmem:v3+s30+$0x0] =	vst.idx.add.f32.msk $0xffff, v2  }
0x5f: {  	v3 =	vld [tilespmem:$0x4C0];
	_ =	sdelay $0x7  }
0x60: {  	[tilespmem:v3+s30+$0x0] =	vst.idx.add.f32.msk $0xffff, v2  }
0x61: {  	v3 =	vld [tilespmem:$0x4D0];
	_ =	sdelay $0x7  }
0x62: {  	[tilespmem:v3+s30+$0x0] =	vst.idx.add.f32.msk $0xffff, v2  }
0x63: {  	v3 =	vld [tilespmem:$0x4E0];
	_ =	sdelay $0x7  }
0x64: {  	[tilespmem:v3+s30+$0x0] =	vst.idx.add.f32.msk $0xffff, v2  }
0x65: {  	v3 =	vld [tilespmem:$0x4F0];
	_ =	sdelay $0x7  }
0x66: {  	[tilespmem:v3+s30+$0x0] =	vst.idx.add.f32.msk $0xffff, v2  }
0x67: {  	v3 =	vld [tilespmem:$0x500];
	_ =	sdelay $0x7  }
0x68: {  	[tilespmem:v3+s30+$0x0] =	vst.idx.add.f32.msk $0xffff, v2  }
0x69: {  	v3 =	vld [tilespmem:$0x510];
	_ =	sdelay $0x7  }
0x6a: {  	[tilespmem:v3+s30+$0x0] =	vst.idx.add.f32.msk $0xffff, v2  }
0x6b: {  	v3 =	vld [tilespmem:$0x520];
	_ =	sdelay $0x7  }
0x6c: {  	[tilespmem:v3+s30+$0x0] =	vst.idx.add.f32.msk $0xffff, v2  }
0x6d: {  	v3 =	vld [tilespmem:$0x530];
	_ =	sdelay $0x7  }
0x6e: {  	[tilespmem:v3+s30+$0x0] =	vst.idx.add.f32.msk $0xffff, v2  }
0x6f: {  	v3 =	vld [tilespmem:$0x540];
	_ =	sdelay $0x7  }
0x70: {  	[tilespmem:v3+s30+$0x0] =	vst.idx.add.f32.msk $0xffff, v2  }
0x71: {  	v3 =	vld [tilespmem:$0x550];
	_ =	sdelay $0x7  }
0x72: {  	[tilespmem:v3+s30+$0x0] =	vst.idx.add.f32.msk $0xffff, v2  }
0x73: {  	v3 =	vld [tilespmem:$0x560];
	_ =	sdelay $0x7  }
0x74: {  	[tilespmem:v3+s30+$0x0] =	vst.idx.add.f32.msk $0xffff, v2  }
0x75: {  	v3 =	vld [tilespmem:$0x570];
	_ =	sdelay $0x7  }
0x76: {  	[tilespmem:v3+s30+$0x0] =	vst.idx.add.f32.msk $0xffff, v2  }
0x77: {  	v3 =	vld [tilespmem:$0x580];
	_ =	sdelay $0x7  }
0x78: {  	[tilespmem:v3+s30+$0x0] =	vst.idx.add.f32.msk $0xffff, v2  }
0x79: {  	v3 =	vld [tilespmem:$0x590];
	_ =	sdelay $0x7  }
0x7a: {  	[tilespmem:v3+s30+$0x0] =	vst.idx.add.f32.msk $0xffff, v2  }
0x7b: {  	v3 =	vld [tilespmem:$0x5A0];
	_ =	sdelay $0x7  }
0x7c: {  	[tilespmem:v3+s30+$0x0] =	vst.idx.add.f32.msk $0xffff, v2  }
0x7d: {  	v3 =	vld [tilespmem:$0x5B0];
	_ =	sdelay $0x7  }
0x7e: {  	[tilespmem:v3+s30+$0x0] =	vst.idx.add.f32.msk $0xffff, v2  }
0x7f: {  	v3 =	vld [tilespmem:$0x5C0];
	_ =	sdelay $0x7  }
0x80: {  	[tilespmem:v3+s30+$0x0] =	vst.idx.add.f32.msk $0xffff, v2  }
0x81: {  	v3 =	vld [tilespmem:$0x5D0];
	_ =	sdelay $0x7  }
0x82: {  	[tilespmem:v3+s30+$0x0] =	vst.idx.add.f32.msk $0xffff, v2  }
0x83: {  	v3 =	vld [tilespmem:$0x5E0];
	_ =	sdelay $0x7  }
0x84: {  	[tilespmem:v3+s30+$0x0] =	vst.idx.add.f32.msk $0xffff, v2  }
0x85: {  	v3 =	vld [tilespmem:$0x5F0];
	_ =	sdelay $0x7  }
0x86: {  	[tilespmem:v3+s30+$0x0] =	vst.idx.add.f32.msk $0xffff, v2  }
0x87: {  	v3 =	vld [tilespmem:$0x600];
	_ =	sdelay $0x7  }
0x88: {  	[tilespmem:v3+s30+$0x0] =	vst.idx.add.f32.msk $0xffff, v2  }
0x89: {  	v3 =	vld [tilespmem:$0x610];
	_ =	sdelay $0x7  }
0x8a: {  	[tilespmem:v3+s30+$0x0] =	vst.idx.add.f32.msk $0xffff, v2  }
0x8b: {  	v3 =	vld [tilespmem:$0x620];
	_ =	sdelay $0x7  }
0x8c: {  	[tilespmem:v3+s30+$0x0] =	vst.idx.add.f32.msk $0xffff, v2  }
0x8d: {  	v3 =	vld [tilespmem:$0x630];
	_ =	sdelay $0x7  }
0x8e: {  	[tilespmem:v3+s30+$0x0] =	vst.idx.add.f32.msk $0xffff, v2  }
0x8f: {  	_ =	swait.ge [sflag:s31], $0x6400  }
0x90: {  	[sflag:s31] =	ssyncset.done $0x0  }
0x91: {  	[sflag:s31] =	ssyncadd.s32 $0xFFFF9C00  }
0x92: {  	[spmem:s3] =	stream.indirect.scatter.add.bf16 [tilespmem:s23], [sflag:$0x5], $0x40, s22, s20, $0xb8;
	[tilespmem:$0x1F8B0] =	vst v63  }
0x93: {  	_ =	swait.ge [sflag:s1], $0x6400  }
0x94: {  	s15 =	sshrl.u32 s17, $0x3;
	[sflag:s1] =	ssyncset.done $0x0  }
0x95: {  	s16 =	sadd.s32 s5, s15;
	[sflag:s1] =	ssyncadd.s32 $0xFFFF9C00  }
0x96: {  	[tilespmem:s4], [sflag:$0x7] =	stream.linear.gather [hbm4b:s16+s4], $0x190, $0x38;
	[tilespmem:$0x1F8B0] =	vst v63  }
0x97: {  	_ =	swait.ge [sflag:s18], $0x190  }
0x98: {  	[sflag:s18] =	ssyncset.done $0x0  }
0x99: {  	s13 =	sadd.s32 s6, s15;
	[sflag:s18] =	ssyncadd.s32 $0xFFFFFE70  }
0x9a: {  	[tilespmem:s19], [sflag:$0x7] =	stream.linear.gather [hbm4b:s13+s4], $0x190, $0x38;
	[tilespmem:$0x1F8B0] =	vst v63  }
0x9b: {  	_ =	swait.ge [sflag:s18], $0x190  }
0x9c: {  	[sflag:s18] =	ssyncset.done $0x0  }
0x9d: {  	[sflag:s18] =	ssyncadd.s32 $0xFFFFFE70  }
0x9e: {  	[tilespmem:s21], [sflag:$0x1] =	stream.indirect.gather [hbm4b:s0+s20], $0x40, s4, s20, $0xb8;
	[tilespmem:$0x1F8B0] =	vst v63  }
0x9f: {  	v3 =	vld [tilespmem:$0x640];
	_ =	sdelay $0x7  }
0xa0: {  	[tilespmem:v3+s30+$0x0] =	vst.idx.add.f32.msk $0xffff, v2  }
0xa1: {  	v3 =	vld [tilespmem:$0x650];
	_ =	sdelay $0x7  }
0xa2: {  	[tilespmem:v3+s30+$0x0] =	vst.idx.add.f32.msk $0xffff, v2  }
0xa3: {  	v3 =	vld [tilespmem:$0x660];
	_ =	sdelay $0x7  }
0xa4: {  	[tilespmem:v3+s30+$0x0] =	vst.idx.add.f32.msk $0xffff, v2  }
0xa5: {  	v3 =	vld [tilespmem:$0x670];
	_ =	sdelay $0x7  }
0xa6: {  	[tilespmem:v3+s30+$0x0] =	vst.idx.add.f32.msk $0xffff, v2  }
0xa7: {  	v3 =	vld [tilespmem:$0x680];
	_ =	sdelay $0x7  }
0xa8: {  	[tilespmem:v3+s30+$0x0] =	vst.idx.add.f32.msk $0xffff, v2  }
0xa9: {  	v3 =	vld [tilespmem:$0x690];
	_ =	sdelay $0x7  }
0xaa: {  	[tilespmem:v3+s30+$0x0] =	vst.idx.add.f32.msk $0xffff, v2  }
0xab: {  	v3 =	vld [tilespmem:$0x6A0];
	_ =	sdelay $0x7  }
0xac: {  	[tilespmem:v3+s30+$0x0] =	vst.idx.add.f32.msk $0xffff, v2  }
0xad: {  	v3 =	vld [tilespmem:$0x6B0];
	_ =	sdelay $0x7  }
0xae: {  	[tilespmem:v3+s30+$0x0] =	vst.idx.add.f32.msk $0xffff, v2  }
0xaf: {  	v3 =	vld [tilespmem:$0x6C0];
	_ =	sdelay $0x7  }
0xb0: {  	[tilespmem:v3+s30+$0x0] =	vst.idx.add.f32.msk $0xffff, v2  }
0xb1: {  	v3 =	vld [tilespmem:$0x6D0];
	_ =	sdelay $0x7  }
0xb2: {  	[tilespmem:v3+s30+$0x0] =	vst.idx.add.f32.msk $0xffff, v2  }
0xb3: {  	v3 =	vld [tilespmem:$0x6E0];
	_ =	sdelay $0x7  }
0xb4: {  	[tilespmem:v3+s30+$0x0] =	vst.idx.add.f32.msk $0xffff, v2  }
0xb5: {  	v3 =	vld [tilespmem:$0x6F0];
	_ =	sdelay $0x7  }
0xb6: {  	[tilespmem:v3+s30+$0x0] =	vst.idx.add.f32.msk $0xffff, v2  }
0xb7: {  	v3 =	vld [tilespmem:$0x700];
	_ =	sdelay $0x7  }
0xb8: {  	[tilespmem:v3+s30+$0x0] =	vst.idx.add.f32.msk $0xffff, v2  }
0xb9: {  	v3 =	vld [tilespmem:$0x710];
	_ =	sdelay $0x7  }
0xba: {  	[tilespmem:v3+s30+$0x0] =	vst.idx.add.f32.msk $0xffff, v2  }
0xbb: {  	v3 =	vld [tilespmem:$0x720];
	_ =	sdelay $0x7  }
0xbc: {  	[tilespmem:v3+s30+$0x0] =	vst.idx.add.f32.msk $0xffff, v2  }
0xbd: {  	v3 =	vld [tilespmem:$0x730];
	_ =	sdelay $0x7  }
0xbe: {  	[tilespmem:v3+s30+$0x0] =	vst.idx.add.f32.msk $0xffff, v2  }
0xbf: {  	v3 =	vld [tilespmem:$0x740];
	_ =	sdelay $0x7  }
0xc0: {  	[tilespmem:v3+s30+$0x0] =	vst.idx.add.f32.msk $0xffff, v2  }
0xc1: {  	v3 =	vld [tilespmem:$0x750];
	_ =	sdelay $0x7  }
0xc2: {  	[tilespmem:v3+s30+$0x0] =	vst.idx.add.f32.msk $0xffff, v2  }
0xc3: {  	v3 =	vld [tilespmem:$0x760];
	_ =	sdelay $0x7  }
0xc4: {  	[tilespmem:v3+s30+$0x0] =	vst.idx.add.f32.msk $0xffff, v2  }
0xc5: {  	v3 =	vld [tilespmem:$0x770];
	_ =	sdelay $0x7  }
0xc6: {  	[tilespmem:v3+s30+$0x0] =	vst.idx.add.f32.msk $0xffff, v2  }
0xc7: {  	v3 =	vld [tilespmem:$0x780];
	_ =	sdelay $0x7  }
0xc8: {  	[tilespmem:v3+s30+$0x0] =	vst.idx.add.f32.msk $0xffff, v2  }
0xc9: {  	v3 =	vld [tilespmem:$0x790];
	_ =	sdelay $0x7  }
0xca: {  	[tilespmem:v3+s30+$0x0] =	vst.idx.add.f32.msk $0xffff, v2  }
0xcb: {  	v3 =	vld [tilespmem:$0x7A0];
	_ =	sdelay $0x7  }
0xcc: {  	[tilespmem:v3+s30+$0x0] =	vst.idx.add.f32.msk $0xffff, v2  }
0xcd: {  	v3 =	vld [tilespmem:$0x7B0];
	_ =	sdelay $0x7  }
0xce: {  	[tilespmem:v3+s30+$0x0] =	vst.idx.add.f32.msk $0xffff, v2  }
0xcf: {  	v3 =	vld [tilespmem:$0x7C0];
	_ =	sdelay $0x7  }
0xd0: {  	[tilespmem:v3+s30+$0x0] =	vst.idx.add.f32.msk $0xffff, v2  }
0xd1: {  	_ =	swait.ge [sflag:s2], $0x6400  }
0xd2: {  	p1 =	seq.s32 s11, $0x41A;
	[sflag:s2] =	ssyncset.done $0x0  }
0xd3: {  	s13 =	simm.s32 @!p1 $0x5;
	[sflag:s2] =	ssyncadd.s32 $0xFFFF9C00  }
0xd4: {  	[spmem:s3] =	stream.indirect.scatter.add.bf16 [tilespmem:s29], [sflag:$0x6], $0x40, s28, s20, $0xb8;
	[tilespmem:$0x1F8B0] =	vst v63  }
0xd5: {  	_ =	swait.ge @!p1 [sflag:s13], $0x6400  }
0xd6: {  	s15 =	simm.s32 @!p1 $0x190;
	s14 =	rddreg [dreg:$0x6];
	[sflag:s13] =	ssyncset.done @!p1 $0x0  }
0xd7: {  	[sflag:s13] =	ssyncadd.s32 @!p1 $0xFFFF9C00;
	s13 =	sadd.s32 @!p1 s11, s14;
	s14 =	simm.s32 @!p1 $0x0  }
0xd8: {  	[tilespmem:s15], [sflag:$0x7] =	stream.linear.gather @!p1 [hbm4b:s13+s14], $0x190, $0x38;
	[tilespmem:$0x1F8B0] =	vst v63  }
0xd9: {  	s13 =	simm.s32 @!p1 $0x7  }
0xda: {  	_ =	swait.ge @!p1 [sflag:s13], $0x190  }
0xdb: {  	s7 =	rddreg [dreg:$0x5];
	[sflag:s13] =	ssyncset.done @!p1 $0x0  }
0xdc: {  	s16 =	simm.s32 @!p1 $0x640;
	[sflag:s13] =	ssyncadd.s32 @!p1 $0xFFFFFE70;
	s7 =	sadd.s32 @!p1 s11, s7  }
0xdd: {  	[tilespmem:s16], [sflag:$0x7] =	stream.linear.gather @!p1 [hbm4b:s7+s14], $0x190, $0x38;
	[tilespmem:$0x1F8B0] =	vst v63  }
0xde: {  	_ =	swait.ge @!p1 [sflag:s13], $0x190  }
0xdf: {  	[sflag:s13] =	ssyncset.done @!p1 $0x0  }
0xe0: {  	s7 =	simm.s32 @!p1 $0x6D60;
	[sflag:s13] =	ssyncadd.s32 @!p1 $0xFFFFFE70  }
0xe1: {  	[tilespmem:s7], [sflag:$0x2] =	stream.indirect.gather @!p1 [hbm4b:s0+s15], $0x40, s15, s15, $0xb8;
	[tilespmem:$0x1F8B0] =	vst v63  }
0xe2: {  	v3 =	vld [tilespmem:$0x7D0];
	_ =	sdelay $0x7  }
0xe3: {  	[tilespmem:v3+s30+$0x0] =	vst.idx.add.f32.msk $0xffff, v2  }
0xe4: {  	v3 =	vld [tilespmem:$0x7E0];
	_ =	sdelay $0x7  }
0xe5: {  	[tilespmem:v3+s30+$0x0] =	vst.idx.add.f32.msk $0xffff, v2  }
0xe6: {  	v3 =	vld [tilespmem:$0x7F0];
	_ =	sdelay $0x7  }
0xe7: {  	[tilespmem:v3+s30+$0x0] =	vst.idx.add.f32.msk $0xffff, v2  }
0xe8: {  	v3 =	vld [tilespmem:$0x800];
	_ =	sdelay $0x7  }
0xe9: {  	[tilespmem:v3+s30+$0x0] =	vst.idx.add.f32.msk $0xffff, v2  }
0xea: {  	v3 =	vld [tilespmem:$0x810];
	_ =	sdelay $0x7  }
0xeb: {  	[tilespmem:v3+s30+$0x0] =	vst.idx.add.f32.msk $0xffff, v2  }
0xec: {  	v3 =	vld [tilespmem:$0x820];
	_ =	sdelay $0x7  }
0xed: {  	[tilespmem:v3+s30+$0x0] =	vst.idx.add.f32.msk $0xffff, v2  }
0xee: {  	v3 =	vld [tilespmem:$0x830];
	_ =	sdelay $0x7  }
0xef: {  	[tilespmem:v3+s30+$0x0] =	vst.idx.add.f32.msk $0xffff, v2  }
0xf0: {  	v3 =	vld [tilespmem:$0x840];
	_ =	sdelay $0x7  }
0xf1: {  	[tilespmem:v3+s30+$0x0] =	vst.idx.add.f32.msk $0xffff, v2  }
0xf2: {  	v3 =	vld [tilespmem:$0x850];
	_ =	sdelay $0x7  }
0xf3: {  	[tilespmem:v3+s30+$0x0] =	vst.idx.add.f32.msk $0xffff, v2  }
0xf4: {  	v3 =	vld [tilespmem:$0x860];
	_ =	sdelay $0x7  }
0xf5: {  	[tilespmem:v3+s30+$0x0] =	vst.idx.add.f32.msk $0xffff, v2  }
0xf6: {  	v3 =	vld [tilespmem:$0x870];
	_ =	sdelay $0x7  }
0xf7: {  	[tilespmem:v3+s30+$0x0] =	vst.idx.add.f32.msk $0xffff, v2  }
0xf8: {  	v3 =	vld [tilespmem:$0x880];
	_ =	sdelay $0x7  }
0xf9: {  	[tilespmem:v3+s30+$0x0] =	vst.idx.add.f32.msk $0xffff, v2  }
0xfa: {  	v3 =	vld [tilespmem:$0x890];
	_ =	sdelay $0x7  }
0xfb: {  	[tilespmem:v3+s30+$0x0] =	vst.idx.add.f32.msk $0xffff, v2  }
0xfc: {  	v3 =	vld [tilespmem:$0x8A0];
	_ =	sdelay $0x7  }
0xfd: {  	[tilespmem:v3+s30+$0x0] =	vst.idx.add.f32.msk $0xffff, v2  }
0xfe: {  	v3 =	vld [tilespmem:$0x8B0];
	_ =	sdelay $0x7  }
0xff: {  	[tilespmem:v3+s30+$0x0] =	vst.idx.add.f32.msk $0xffff, v2  }
0x100: {  	v3 =	vld [tilespmem:$0x8C0];
	_ =	sdelay $0x7  }
0x101: {  	[tilespmem:v3+s30+$0x0] =	vst.idx.add.f32.msk $0xffff, v2  }
0x102: {  	v3 =	vld [tilespmem:$0x8D0];
	_ =	sdelay $0x7  }
0x103: {  	[tilespmem:v3+s30+$0x0] =	vst.idx.add.f32.msk $0xffff, v2  }
0x104: {  	v3 =	vld [tilespmem:$0x8E0];
	_ =	sdelay $0x7  }
0x105: {  	[tilespmem:v3+s30+$0x0] =	vst.idx.add.f32.msk $0xffff, v2  }
0x106: {  	v3 =	vld [tilespmem:$0x8F0];
	_ =	sdelay $0x7  }
0x107: {  	[tilespmem:v3+s30+$0x0] =	vst.idx.add.f32.msk $0xffff, v2  }
0x108: {  	v3 =	vld [tilespmem:$0x900];
	_ =	sdelay $0x7  }
0x109: {  	[tilespmem:v3+s30+$0x0] =	vst.idx.add.f32.msk $0xffff, v2  }
0x10a: {  	v3 =	vld [tilespmem:$0x910];
	_ =	sdelay $0x7  }
0x10b: {  	[tilespmem:v3+s30+$0x0] =	vst.idx.add.f32.msk $0xffff, v2  }
0x10c: {  	v3 =	vld [tilespmem:$0x920];
	_ =	sdelay $0x7  }
0x10d: {  	[tilespmem:v3+s30+$0x0] =	vst.idx.add.f32.msk $0xffff, v2  }
0x10e: {  	v3 =	vld [tilespmem:$0x930];
	_ =	sdelay $0x7  }
0x10f: {  	[tilespmem:v3+s30+$0x0] =	vst.idx.add.f32.msk $0xffff, v2  }
0x110: {  	v3 =	vld [tilespmem:$0x940];
	_ =	sdelay $0x7  }
0x111: {  	[tilespmem:v3+s30+$0x0] =	vst.idx.add.f32.msk $0xffff, v2  }
0x112: {  	v3 =	vld [tilespmem:$0x950];
	_ =	sdelay $0x1  }
0x113: {  	s11 =	sadd.s32 $0x96, s11  }
0x114: {  	p1 =	sne.s32 s11, $0x4B0  }
.Ltmp2:
0x115: {  	_ = 	snop;
	(pc) =	sbr.rel @p1 .LBB2_6-.Ltmp2, $2  }
0x116: {  	_ =	sdelay $0x2  }
0x117: {  	s17 =	sadd.s32 $0x4B0, s17;
	[tilespmem:v3+s30+$0x0] =	vst.idx.add.f32.msk $0xffff, v2  }
0x118: {  	_ =	swait.ge [sflag:s24], $0x6400  }
0x119: {  	[sflag:s24] =	ssyncset.done $0x0  }
0x11a: {  	[sflag:s24] =	ssyncadd.s32 $0xFFFF9C00  }
0x11b: {  	[spmem:s3] =	stream.indirect.scatter.add.bf16 [tilespmem:s21], [sflag:$0x4], $0x40, s19, s20, $0xb8;
	[tilespmem:$0x1F8B0] =	vst v63  }
0x11c: {  	v3 =	vld [tilespmem:$0x4B0];
	_ =	sdelay $0x7  }
0x11d: {  	[tilespmem:v3+s30+$0x0] =	vst.idx.add.f32.msk $0xffff, v2  }
0x11e: {  	v3 =	vld [tilespmem:$0x4C0];
	_ =	sdelay $0x7  }
0x11f: {  	[tilespmem:v3+s30+$0x0] =	vst.idx.add.f32.msk $0xffff, v2  }
0x120: {  	v3 =	vld [tilespmem:$0x4D0];
	_ =	sdelay $0x7  }
0x121: {  	[tilespmem:v3+s30+$0x0] =	vst.idx.add.f32.msk $0xffff, v2  }
0x122: {  	v3 =	vld [tilespmem:$0x4E0];
	_ =	sdelay $0x7  }
0x123: {  	[tilespmem:v3+s30+$0x0] =	vst.idx.add.f32.msk $0xffff, v2  }
0x124: {  	v3 =	vld [tilespmem:$0x4F0];
	_ =	sdelay $0x7  }
0x125: {  	[tilespmem:v3+s30+$0x0] =	vst.idx.add.f32.msk $0xffff, v2  }
0x126: {  	v3 =	vld [tilespmem:$0x500];
	_ =	sdelay $0x7  }
0x127: {  	[tilespmem:v3+s30+$0x0] =	vst.idx.add.f32.msk $0xffff, v2  }
0x128: {  	v3 =	vld [tilespmem:$0x510];
	_ =	sdelay $0x7  }
0x129: {  	[tilespmem:v3+s30+$0x0] =	vst.idx.add.f32.msk $0xffff, v2  }
0x12a: {  	v3 =	vld [tilespmem:$0x520];
	_ =	sdelay $0x7  }
0x12b: {  	[tilespmem:v3+s30+$0x0] =	vst.idx.add.f32.msk $0xffff, v2  }
0x12c: {  	v3 =	vld [tilespmem:$0x530];
	_ =	sdelay $0x7  }
0x12d: {  	[tilespmem:v3+s30+$0x0] =	vst.idx.add.f32.msk $0xffff, v2  }
0x12e: {  	v3 =	vld [tilespmem:$0x540];
	_ =	sdelay $0x7  }
0x12f: {  	[tilespmem:v3+s30+$0x0] =	vst.idx.add.f32.msk $0xffff, v2  }
0x130: {  	v3 =	vld [tilespmem:$0x550];
	_ =	sdelay $0x7  }
0x131: {  	[tilespmem:v3+s30+$0x0] =	vst.idx.add.f32.msk $0xffff, v2  }
0x132: {  	v3 =	vld [tilespmem:$0x560];
	_ =	sdelay $0x7  }
0x133: {  	[tilespmem:v3+s30+$0x0] =	vst.idx.add.f32.msk $0xffff, v2  }
0x134: {  	v3 =	vld [tilespmem:$0x570];
	_ =	sdelay $0x7  }
0x135: {  	[tilespmem:v3+s30+$0x0] =	vst.idx.add.f32.msk $0xffff, v2  }
0x136: {  	v3 =	vld [tilespmem:$0x580];
	_ =	sdelay $0x7  }
0x137: {  	[tilespmem:v3+s30+$0x0] =	vst.idx.add.f32.msk $0xffff, v2  }
0x138: {  	v3 =	vld [tilespmem:$0x590];
	_ =	sdelay $0x7  }
0x139: {  	[tilespmem:v3+s30+$0x0] =	vst.idx.add.f32.msk $0xffff, v2  }
0x13a: {  	v3 =	vld [tilespmem:$0x5A0];
	_ =	sdelay $0x7  }
0x13b: {  	[tilespmem:v3+s30+$0x0] =	vst.idx.add.f32.msk $0xffff, v2  }
0x13c: {  	v3 =	vld [tilespmem:$0x5B0];
	_ =	sdelay $0x7  }
0x13d: {  	[tilespmem:v3+s30+$0x0] =	vst.idx.add.f32.msk $0xffff, v2  }
0x13e: {  	v3 =	vld [tilespmem:$0x5C0];
	_ =	sdelay $0x7  }
0x13f: {  	[tilespmem:v3+s30+$0x0] =	vst.idx.add.f32.msk $0xffff, v2  }
0x140: {  	v3 =	vld [tilespmem:$0x5D0];
	_ =	sdelay $0x7  }
0x141: {  	[tilespmem:v3+s30+$0x0] =	vst.idx.add.f32.msk $0xffff, v2  }
0x142: {  	v3 =	vld [tilespmem:$0x5E0];
	_ =	sdelay $0x7  }
0x143: {  	[tilespmem:v3+s30+$0x0] =	vst.idx.add.f32.msk $0xffff, v2  }
0x144: {  	v3 =	vld [tilespmem:$0x5F0];
	_ =	sdelay $0x7  }
0x145: {  	[tilespmem:v3+s30+$0x0] =	vst.idx.add.f32.msk $0xffff, v2  }
0x146: {  	v3 =	vld [tilespmem:$0x600];
	_ =	sdelay $0x7  }
0x147: {  	[tilespmem:v3+s30+$0x0] =	vst.idx.add.f32.msk $0xffff, v2  }
0x148: {  	v3 =	vld [tilespmem:$0x610];
	_ =	sdelay $0x7  }
0x149: {  	[tilespmem:v3+s30+$0x0] =	vst.idx.add.f32.msk $0xffff, v2  }
0x14a: {  	v3 =	vld [tilespmem:$0x620];
	_ =	sdelay $0x7  }
0x14b: {  	[tilespmem:v3+s30+$0x0] =	vst.idx.add.f32.msk $0xffff, v2  }
0x14c: {  	v3 =	vld [tilespmem:$0x630];
	_ =	sdelay $0x7  }
0x14d: {  	[tilespmem:v3+s30+$0x0] =	vst.idx.add.f32.msk $0xffff, v2  }
0x14e: {  	_ =	swait.ge [sflag:s8], $0x6400  }
0x14f: {  	[sflag:s8] =	ssyncset.done $0x0  }
0x150: {  	[sflag:s8] =	ssyncadd.s32 $0xFFFF9C00  }
0x151: {  	_ =	swait.ge [sflag:s9], $0x6400  }
0x152: {  	[sflag:s9] =	ssyncset.done $0x0  }
0x153: {  	[sflag:s9] =	ssyncadd.s32 $0xFFFF9C00  }
0x154: {  	_ =	swait.ge [sflag:s1], $0x6400  }
0x155: {  	[sflag:s1] =	ssyncset.done $0x0  }
0x156: {  	s7 =	rddreg [dreg:$0x10];
	[sflag:s1] =	ssyncadd.s32 $0xFFFF9C00  }
0x157: {  	[hbm4b:s7+s4] =	stream.linear.scatter [tilespmem:s30], [sflag:$0x7], $0x2710, $0x38;
	[tilespmem:$0x1F8B0] =	vst v63  }
0x158: {  	_ =	swait.ge [sflag:s18], $0x2710  }
0x159: {  	[sflag:s18] =	ssyncset.done $0x0  }
0x15a: {  	s7 =	stileid.u32;
	[sflag:s18] =	ssyncadd.s32 $0xFFFFD8F0  }
0x15b: {  	s7 =	sshll.u32 @!p0 s7, $0x6;
	[bflag:$0x0] =	sbarrier.arrive $0xFFFF  }
0x15c: {  	s7 =	sor.u32 @!p0 $0x1C07, s7;
	s11 =	rddreg [dreg:$0x11]  }
0x15d: {  	[hbm:s11], [sflag:s7] =	dma.local @!p0 [spmem:s25], $0x1F40  }
0x15e: {  	s7 =	simm.s32 @!p0 $0x7  }
0x15f: {  	_ =	swait.ge @!p0 [sflag:s7], $0x1F40  }
0x160: {  	s10 =	sadd.s32 $0x1, s10;
	s17 =	rddreg [dreg:$0x12]  }
0x161: {  	p1 =	sne.s32 s10, s17  }
.Ltmp3:
0x162: {  	_ = 	snop;
	(pc) =	sbr.rel @p1 .LBB2_1-.Ltmp3, $3  }
0x163: {  	_ =	sdelay $0x1  }
0x164: {  	[sflag:s7] =	ssyncset.done @!p0 $0x0  }
0x165: {  	[sflag:s7] =	ssyncadd.s32 @!p0 $0xFFFFE0C0  }
0x166: {  	_ =	sfence.sel $0x180000  }
0x167: {  	[bflag:$0x0] =	sbarrier.arrive $0xFFFF  }
0x168: {  	_ =	strace $0x90000047  }
0x169: {  	s0 =	stileid.u32;
	[bflag:$0x2] =	sbarrier.arrive $0xFFFF  }
0x16a: {  	p0 =	sne.s32 s0, $0x0;
	s0 =	rddreg [dreg:$0x4]  }
0x16b: {  	s0 =	sadd.s32 @!p0 $0x100000, s0  }
0x16c: {  	[sflag:s0] =	ssyncadd.tile.s32 @!p0 $0x1;
	_ =	shalt  }
.Lfunc_end2:
_tile_overlayer_lowered:
.L_overlay_start_2:
0x16d: {  	(tag) =	ssettag $0x2  }
0x16e: {  	s0 =	rddreg [dreg:$0x0];
	s2 =	stileid.u32  }
0x16f: {  	s1 =	rddreg [dreg:$0x1];
	p0 =	sne.s32 s2, $0x0  }
0x170: {  	s3 =	rddreg [dreg:$0x2];
	[bflag:$0x3] =	sbarrier.arrive $0xFFFF;
	s2 =	simm.s32 @!p0 $0x1C07  }
0x171: {  	[timem:s3], [sflag:s2] =	dma.local @!p0 [hbm:s0], s1  }
0x172: {  	s0 =	simm.s32 @!p0 $0x7  }
0x173: {  	_ =	swait.ge @!p0 [sflag:s0], s1  }
0x174: {  	s1 =	ssub.s32 @!p0 $0x0, s1;
	[sflag:s0] =	ssyncset.done @!p0 $0x0  }
0x175: {  	[sflag:s0] =	ssyncadd.s32 @!p0 s1  }
0x176: {  	[bflag:$0x3] =	sbarrier.arrive $0xFFFF  }
0x177: {  	_ =	shalt  }

</sc_bundles>
